<compile_context>
chip_gen: v7x
topology: tpu7x:2x2x1
jax: 0.10.2.dev20260603
libtpu: 0.0.44.dev20260713+nightly
codegen_flags: <defaults>
</compile_context>

<pallas_src>
import functools

import jax
import jax.numpy as jnp
from jax import lax
from jax.experimental import pallas as pl
from jax.experimental.pallas import tpu as pltpu
from jax.experimental.pallas import tpu_sc as plsc

_N, _E, _D, _H, _G = 10000, 320000, 128, 64, 64
_NC, _NS, _CH = 2, 16, 128
_KCH = 80
_EPAD = _NC * _NS * _KCH * _CH
_NP = 10240
_ACC = _NP
_RPT = _ACC // _NS
_OPT = _RPT
_RING = 2
_BN = 2048
_GRID = _NP // _BN

_mesh = plsc.VectorSubcoreMesh(
    core_axis_name="c", subcore_axis_name="s", num_cores=_NC, num_subcores=_NS
)


def _zero_rows(buf, ncols):
    z = jnp.zeros((16,), jnp.float32)

    def row(r, carry):
        for q in range(ncols // 16):
            buf[r, pl.ds(q * 16, 16)] = z
        return carry

    lax.fori_loop(0, _CH, row, 0)


def _zero_acc_slice(zbuf, acc, base, sem):
    spans = []
    off = 0
    while off < _RPT:
        n = min(_CH, _RPT - off)
        spans.append((off, n))
        off += n
    for off, n in spans:
        pltpu.async_copy(zbuf.at[pl.ds(0, n)], acc.at[pl.ds(base + off, n)], sem)
    for off, n in spans:
        pltpu.make_async_copy(zbuf.at[pl.ds(0, n)], acc.at[pl.ds(base + off, n)], sem).wait()


@functools.partial(
    pl.kernel,
    out_type=jax.ShapeDtypeStruct((_NC, _NP, 16), jnp.float32),
    mesh=_mesh,
    compiler_params=pltpu.CompilerParams(use_tc_tiling_on_sc=False),
    scratch_types=[
        pltpu.VMEM((_KCH, _CH), jnp.int32),
        pltpu.VMEM((_CH, 16), jnp.float32),
        pltpu.VMEM_SHARED((_ACC, 16), jnp.float32),
        pltpu.SemaphoreType.DMA,
    ],
)
def _sc_deg(dst_hbm, out_hbm, didx, obuf, acc, sem):
    c = lax.axis_index("c")
    s = lax.axis_index("s")
    _zero_rows(obuf, 16)
    _zero_acc_slice(obuf, acc, s * _RPT, sem)
    one = jnp.full((16,), 1.0, jnp.float32)

    def row(r, carry):
        obuf[r, :] = one
        return carry

    lax.fori_loop(0, _CH, row, 0)
    plsc.subcore_barrier()
    pltpu.sync_copy(dst_hbm.at[c, s], didx)

    def fire(k, carry):
        pltpu.async_copy(obuf, acc.at[didx.at[k]], sem, add=True)
        return carry

    lax.fori_loop(0, _KCH, fire, 0)

    def drain(k, carry):
        pltpu.make_async_copy(obuf, acc.at[didx.at[0]], sem).wait()
        return carry

    lax.fori_loop(0, _KCH, drain, 0)
    plsc.subcore_barrier()
    pltpu.sync_copy(acc.at[pl.ds(s * _OPT, _OPT)], out_hbm.at[c, pl.ds(s * _OPT, _OPT)])


@functools.partial(
    pl.kernel,
    out_type=jax.ShapeDtypeStruct((_NC, _NP, _H), jnp.float32),
    mesh=_mesh,
    compiler_params=pltpu.CompilerParams(use_tc_tiling_on_sc=False),
    scratch_types=[
        pltpu.VMEM((_KCH, _CH), jnp.int32),
        pltpu.VMEM((_KCH, _CH), jnp.int32),
        [pltpu.VMEM((_CH, _H), jnp.float32) for _ in range(_RING)],
        pltpu.VMEM_SHARED((_ACC, _H), jnp.float32),
        pltpu.VMEM_SHARED((_NP, _H), jnp.float32),
        [pltpu.SemaphoreType.DMA for _ in range(_RING)],
        [pltpu.SemaphoreType.DMA for _ in range(_RING)],
    ],
)
def _sc_agg(v_hbm, src_hbm, dst_hbm, out_hbm, sidx, didx, rows, acc, vs, gsem, ssem):
    c = lax.axis_index("c")
    s = lax.axis_index("s")
    pltpu.async_copy(
        v_hbm.at[pl.ds(s * _RPT, _RPT)], vs.at[pl.ds(s * _RPT, _RPT)], gsem[0]
    )
    _zero_rows(rows[0], _H)
    _zero_acc_slice(rows[0], acc, s * _RPT, ssem[0])
    pltpu.make_async_copy(
        v_hbm.at[pl.ds(s * _RPT, _RPT)], vs.at[pl.ds(s * _RPT, _RPT)], gsem[0]
    ).wait()
    plsc.subcore_barrier()
    pltpu.sync_copy(src_hbm.at[c, s], sidx)
    pltpu.sync_copy(dst_hbm.at[c, s], didx)

    for j in range(_RING):
        pltpu.async_copy(vs.at[sidx.at[j]], rows[j], gsem[j])

    def rnd(r, carry):
        for j in range(_RING):
            k = _RING * r + j
            pltpu.make_async_copy(vs.at[sidx.at[k]], rows[j], gsem[j]).wait()
            pltpu.async_copy(rows[j], acc.at[didx.at[k]], ssem[j], add=True)
        for j in range(_RING):
            nxt = jnp.where(r + 1 < _KCH // _RING, _RING * r + j + _RING, j)
            pltpu.make_async_copy(rows[j], acc.at[didx.at[0]], ssem[j]).wait()
            pltpu.async_copy(vs.at[sidx.at[nxt]], rows[j], gsem[j])
        return carry

    lax.fori_loop(0, _KCH // _RING, rnd, 0)
    for j in range(_RING):
        pltpu.make_async_copy(vs.at[sidx.at[0]], rows[j], gsem[j]).wait()
    plsc.subcore_barrier()
    pltpu.sync_copy(acc.at[pl.ds(s * _OPT, _OPT)], out_hbm.at[c, pl.ds(s * _OPT, _OPT)])


def _tca_body(degp_ref, x_ref, w1_ref, v1_ref, dis_ref):
    d = degp_ref[0] + degp_ref[1]
    dis = lax.rsqrt(d + 1.0)[:, 0:1]
    u = jnp.dot(x_ref[...], w1_ref[...], preferred_element_type=jnp.float32)
    v1_ref[...] = dis * u
    dis_ref[...] = dis


def _tca(degp, x, w1):
    return pl.pallas_call(
        _tca_body,
        grid=(_GRID,),
        in_specs=[
            pl.BlockSpec((_NC, _BN, 16), lambda i: (0, i, 0)),
            pl.BlockSpec((_BN, _D), lambda i: (i, 0)),
            pl.BlockSpec((_D, _H), lambda i: (0, 0)),
        ],
        out_specs=[
            pl.BlockSpec((_BN, _H), lambda i: (i, 0)),
            pl.BlockSpec((_BN, 1), lambda i: (i, 0)),
        ],
        out_shape=[
            jax.ShapeDtypeStruct((_NP, _H), jnp.float32),
            jax.ShapeDtypeStruct((_NP, 1), jnp.float32),
        ],
    )(degp, x, w1)


def _tcb_body(p_ref, v1_ref, dis_ref, b1_ref, w2_ref, v2_ref):
    t = p_ref[0] + p_ref[1] + v1_ref[...]
    dis = dis_ref[...]
    h = jnp.maximum(dis * t + b1_ref[...], 0.0)
    v2_ref[...] = dis * jnp.dot(h, w2_ref[...], preferred_element_type=jnp.float32)


def _tcb(p, v1, dis, b1, w2):
    return pl.pallas_call(
        _tcb_body,
        grid=(_GRID,),
        in_specs=[
            pl.BlockSpec((_NC, _BN, _H), lambda i: (0, i, 0)),
            pl.BlockSpec((_BN, _H), lambda i: (i, 0)),
            pl.BlockSpec((_BN, 1), lambda i: (i, 0)),
            pl.BlockSpec((1, _H), lambda i: (0, 0)),
            pl.BlockSpec((_H, _H), lambda i: (0, 0)),
        ],
        out_specs=pl.BlockSpec((_BN, _H), lambda i: (i, 0)),
        out_shape=jax.ShapeDtypeStruct((_NP, _H), jnp.float32),
    )(p, v1, dis, b1, w2)


def _tcc_body(p_ref, v2_ref, dis_ref, b2_ref, batch_ref, w3_ref, b3_ref,
              out_ref, sums, counts):
    i = pl.program_id(0)

    @pl.when(i == 0)
    def _():
        sums[...] = jnp.zeros_like(sums)
        counts[...] = jnp.zeros_like(counts)

    t = p_ref[0] + p_ref[1] + v2_ref[...]
    h = jnp.maximum(dis_ref[...] * t + b2_ref[...], 0.0)
    gids = lax.broadcasted_iota(jnp.int32, (_BN, 128), 1)
    onehot = (batch_ref[...] == gids).astype(jnp.float32)
    dn = (((0,), (0,)), ((), ()))
    sums[...] += lax.dot_general(onehot, h, dn, preferred_element_type=jnp.float32)
    ones = jnp.ones((_BN, 128), jnp.float32)
    counts[...] += lax.dot_general(onehot, ones, dn, preferred_element_type=jnp.float32)

    @pl.when(i == _GRID - 1)
    def _():
        cnt = counts[:, 0:1]
        pooled = sums[...] / jnp.maximum(cnt, 1.0)
        out_ref[...] = (
            jnp.dot(pooled, w3_ref[...], preferred_element_type=jnp.float32)
            + b3_ref[...]
        )


def _tcc(p, v2, dis, b2, batch2, w3p, b3p):
    return pl.pallas_call(
        _tcc_body,
        grid=(_GRID,),
        in_specs=[
            pl.BlockSpec((_NC, _BN, _H), lambda i: (0, i, 0)),
            pl.BlockSpec((_BN, _H), lambda i: (i, 0)),
            pl.BlockSpec((_BN, 1), lambda i: (i, 0)),
            pl.BlockSpec((1, _H), lambda i: (0, 0)),
            pl.BlockSpec((_BN, 1), lambda i: (i, 0)),
            pl.BlockSpec((_H, 128), lambda i: (0, 0)),
            pl.BlockSpec((1, 128), lambda i: (0, 0)),
        ],
        out_specs=pl.BlockSpec((128, 128), lambda i: (0, 0)),
        out_shape=jax.ShapeDtypeStruct((128, 128), jnp.float32),
        scratch_shapes=[
            pltpu.VMEM((128, _H), jnp.float32),
            pltpu.VMEM((128, 128), jnp.float32),
        ],
    )(p, v2, dis, b2, batch2, w3p, b3p)


def kernel(x, edge_index, batch, W1, b1, W2, b2, W3, b3):
    pad = _EPAD - _E
    srcp = jnp.concatenate(
        [edge_index[0], jnp.zeros((pad,), jnp.int32)]
    ).reshape(_NC, _NS, _KCH, _CH)
    pad_dst = _N + (jnp.arange(pad, dtype=jnp.int32) % (_NP - _N))
    dstp = jnp.concatenate([edge_index[1], pad_dst]).reshape(_NC, _NS, _KCH, _CH)

    xp = jnp.pad(x, ((0, _NP - _N), (0, 0)))
    batchp = jnp.pad(batch, (0, _NP - _N), constant_values=_G)
    degp = _sc_deg(dstp)
    v1, dis = _tca(degp, xp, W1)
    p1 = _sc_agg(v1, srcp, dstp)
    v2 = _tcb(p1, v1, dis, b1.reshape(1, _H), W2)
    p2 = _sc_agg(v2, srcp, dstp)
    w3p = jnp.pad(W3, ((0, 0), (0, 128 - W3.shape[1])))
    b3p = jnp.pad(b3, (0, 128 - b3.shape[0])).reshape(1, 128)
    outp = _tcc(p2, v2, dis, b2.reshape(1, _H), batchp.reshape(_NP, 1), w3p, b3p)
    return outp[:_G, : W3.shape[1]]

# --- scband reference (transcript-rebuilt; emitter-appended) ---
"""Pipeline reference for scband-first-gnn-27805618274378 (READ-ONLY COPY).

The authoritative reference and input builder live on the scoring server;
editing this copy changes nothing except your own understanding.
"""

import jax, jax.numpy as jnp
import numpy as np

N = 10000
E = 320000
D = 128
H = 64
C = 2
G = 64


def setup_inputs(seed: int = 0) -> dict:
    key = jax.random.key(seed)
    ks = jax.random.split(key, 10)
    x = jax.random.normal(ks[0], (N, D), dtype=jnp.float32)
    edge_index = jax.random.randint(ks[1], (2, E), 0, N, dtype=jnp.int32)
    batch = jnp.sort(jax.random.randint(ks[2], (N,), 0, G, dtype=jnp.int32))
    W1 = jax.random.normal(ks[3], (D, H), dtype=jnp.float32) / np.sqrt(D)
    b1 = jnp.zeros((H,), dtype=jnp.float32)
    W2 = jax.random.normal(ks[4], (H, H), dtype=jnp.float32) / np.sqrt(H)
    b2 = jnp.zeros((H,), dtype=jnp.float32)
    W3 = jax.random.normal(ks[5], (H, C), dtype=jnp.float32) / np.sqrt(H)
    b3 = jnp.zeros((C,), dtype=jnp.float32)
    return {"x": x, "edge_index": edge_index, "batch": batch,
            "W1": W1, "b1": b1, "W2": W2, "b2": b2, "W3": W3, "b3": b3}


def _gcn_conv(x, W, b, src, dst, num_nodes):
    # PyG GCNConv: add self-loops, symmetric normalization D^-1/2 (A+I) D^-1/2 X W + b
    h = x @ W
    deg = jax.ops.segment_sum(jnp.ones_like(dst, dtype=jnp.float32), dst,
                              num_segments=num_nodes)
    deg_inv_sqrt = 1.0 / jnp.sqrt(jnp.maximum(deg, 1.0))
    norm = deg_inv_sqrt[src] * deg_inv_sqrt[dst]
    msg = h[src] * norm[:, None]
    out = jax.ops.segment_sum(msg, dst, num_segments=num_nodes)
    return out + b


def reference(x, edge_index, batch, W1, b1, W2, b2, W3, b3):
    num_nodes = x.shape[0]
    loop = jnp.arange(num_nodes, dtype=edge_index.dtype)
    src = jnp.concatenate([edge_index[0], loop])
    dst = jnp.concatenate([edge_index[1], loop])
    h = _gcn_conv(x, W1, b1, src, dst, num_nodes)
    h = jax.nn.relu(h)
    h = _gcn_conv(h, W2, b2, src, dst, num_nodes)
    h = jax.nn.relu(h)
    # global_mean_pool over graphs in the batch
    sums = jax.ops.segment_sum(h, batch, num_segments=G)
    counts = jax.ops.segment_sum(jnp.ones((num_nodes,), dtype=jnp.float32), batch,
                                 num_segments=G)
    pooled = sums / jnp.maximum(counts, 1.0)[:, None]
    return pooled @ W3 + b3

if __name__ == "__main__":
    import jax
    _d = setup_inputs()
    print(jax.jit(kernel)(*tuple(_d.values())))

</pallas_src>

<mosaic_0001>
#map = affine_map<(d0, d1) -> (0, 0)>
#map1 = affine_map<(d0, d1) -> (0, 0, 0, 0)>
#map2 = affine_map<(d0, d1) -> (0, 0, 0)>
module attributes {stable_mosaic.version = 14 : i64} {
  func.func @_sc_agg(%arg0: i32, %arg1: i32, %arg2: memref<10240x64xf32, #tpu.memory_space<hbm>>, %arg3: memref<2x16x80x128xi32, #tpu.memory_space<hbm>>, %arg4: memref<2x16x80x128xi32, #tpu.memory_space<hbm>>, %arg5: memref<2x10240x64xf32, #tpu.memory_space<hbm>>, %arg6: memref<80x128xi32, #tpu.memory_space<vmem>>, %arg7: memref<80x128xi32, #tpu.memory_space<vmem>>, %arg8: memref<128x64xf32, #tpu.memory_space<vmem>>, %arg9: memref<128x64xf32, #tpu.memory_space<vmem>>, %arg10: memref<10240x64xf32, #tpu.memory_space<vmem_shared>>, %arg11: memref<10240x64xf32, #tpu.memory_space<vmem_shared>>, %arg12: memref<!tpu.dma_semaphore, #tpu.memory_space<semaphore_mem>>, %arg13: memref<!tpu.dma_semaphore, #tpu.memory_space<semaphore_mem>>, %arg14: memref<!tpu.dma_semaphore, #tpu.memory_space<semaphore_mem>>, %arg15: memref<!tpu.dma_semaphore, #tpu.memory_space<semaphore_mem>>) attributes {dimension_semantics = [#tpu.dimension_semantics<core_parallel>, #tpu.dimension_semantics<subcore_parallel>], iteration_bounds = array<i64: 2, 16>, scalar_prefetch = 0 : i64, scratch_operands = 10 : i64, tpu.core_type = #tpu.core_type<sc_vector_subcore>, window_params = [{transform_indices = #map}, {transform_indices = #map1}, {transform_indices = #map1}, {transform_indices = #map2}]} {
    %mul3A = arith.constant 640 : i32
    %mul3A_0 = arith.muli %arg1, %mul3A : i32
    %mul3A_1 = arith.constant 640 : i32
    %mul3A_2 = arith.muli %arg1, %mul3A_1 : i32
    %dma_start3A = arith.constant 0 : i32
    %dma_start3A_3 = tpu.memref_slice %arg11[%mul3A_2, %dma_start3A] : memref<10240x64xf32, #tpu.memory_space<vmem_shared>> -> memref<640x64xf32, #tpu.memory_space<vmem_shared>>
    %dma_start3A_4 = arith.constant 0 : i32
    %dma_start3A_5 = tpu.memref_slice %arg2[%mul3A_0, %dma_start3A_4] : memref<10240x64xf32, #tpu.memory_space<hbm>> -> memref<640x64xf32, #tpu.memory_space<hbm>>
    tpu.enqueue_dma source(%dma_start3A_5 : memref<640x64xf32, #tpu.memory_space<hbm>>) target(%dma_start3A_3 : memref<640x64xf32, #tpu.memory_space<vmem_shared>>) target_semaphore(%arg12 : memref<!tpu.dma_semaphore, #tpu.memory_space<semaphore_mem>>)
    %broadcast_in_dim3A = arith.constant 0.000000e+00 : f32
    %broadcast_in_dim3A_6 = vector.broadcast %broadcast_in_dim3A : f32 to vector<16xf32>
    %scan3A = arith.constant 0 : i32
    %scan3A_7 = arith.constant 0 : i32
    %scan3A_8 = arith.constant 128 : i32
    %scan3A_9 = arith.addi %scan3A_7, %scan3A_8 : i32
    %scan3A_10 = arith.constant 1 : i32
    scf.for %scan3A_179 = %scan3A_7 to %scan3A_9 step %scan3A_10  : i32 {
      %swap3A = arith.index_cast %scan3A_179 : i32 to index
      %swap3A_180 = arith.constant 0 : index
      %swap3A_181 = tpu.vector_load %arg8[%swap3A, %swap3A_180] {strides = array<i32>} : memref<128x64xf32, #tpu.memory_space<vmem>>, vector<1x16xf32>,
      %swap3A_182 = vector.shape_cast %swap3A_181 : vector<1x16xf32> to vector<16xf32>
      %swap3A_183 = vector.shape_cast %broadcast_in_dim3A_6 : vector<16xf32> to vector<1x16xf32>
      tpu.vector_store %arg8[%swap3A, %swap3A_180], %swap3A_183 {strides = array<i32>} : memref<128x64xf32, #tpu.memory_space<vmem>>, vector<1x16xf32>,
      %swap3A_184 = arith.index_cast %scan3A_179 : i32 to index
      %swap3A_185 = arith.constant 16 : index
      %swap3A_186 = tpu.vector_load %arg8[%swap3A_184, %swap3A_185] {strides = array<i32>} : memref<128x64xf32, #tpu.memory_space<vmem>>, vector<1x16xf32>,
      %swap3A_187 = vector.shape_cast %swap3A_186 : vector<1x16xf32> to vector<16xf32>
      %swap3A_188 = vector.shape_cast %broadcast_in_dim3A_6 : vector<16xf32> to vector<1x16xf32>
      tpu.vector_store %arg8[%swap3A_184, %swap3A_185], %swap3A_188 {strides = array<i32>} : memref<128x64xf32, #tpu.memory_space<vmem>>, vector<1x16xf32>,
      %swap3A_189 = arith.index_cast %scan3A_179 : i32 to index
      %swap3A_190 = arith.constant 32 : index
      %swap3A_191 = tpu.vector_load %arg8[%swap3A_189, %swap3A_190] {strides = array<i32>} : memref<128x64xf32, #tpu.memory_space<vmem>>, vector<1x16xf32>,
      %swap3A_192 = vector.shape_cast %swap3A_191 : vector<1x16xf32> to vector<16xf32>
      %swap3A_193 = vector.shape_cast %broadcast_in_dim3A_6 : vector<16xf32> to vector<1x16xf32>
      tpu.vector_store %arg8[%swap3A_189, %swap3A_190], %swap3A_193 {strides = array<i32>} : memref<128x64xf32, #tpu.memory_space<vmem>>, vector<1x16xf32>,
      %swap3A_194 = arith.index_cast %scan3A_179 : i32 to index
      %swap3A_195 = arith.constant 48 : index
      %swap3A_196 = tpu.vector_load %arg8[%swap3A_194, %swap3A_195] {strides = array<i32>} : memref<128x64xf32, #tpu.memory_space<vmem>>, vector<1x16xf32>,
      %swap3A_197 = vector.shape_cast %swap3A_196 : vector<1x16xf32> to vector<16xf32>
      %swap3A_198 = vector.shape_cast %broadcast_in_dim3A_6 : vector<16xf32> to vector<1x16xf32>
      tpu.vector_store %arg8[%swap3A_194, %swap3A_195], %swap3A_198 {strides = array<i32>} : memref<128x64xf32, #tpu.memory_space<vmem>>, vector<1x16xf32>,
    }
    %scan3A_11 = arith.constant 128 : i32
    %mul3A_12 = arith.constant 640 : i32
    %mul3A_13 = arith.muli %arg1, %mul3A_12 : i32
    %add3A = arith.constant 0 : i32
    %add3A_14 = arith.addi %mul3A_13, %add3A : i32
    %dma_start3A_15 = arith.constant 0 : i32
    %dma_start3A_16 = arith.constant 0 : i32
    %dma_start3A_17 = tpu.memref_slice %arg8[%dma_start3A_15, %dma_start3A_16] : memref<128x64xf32, #tpu.memory_space<vmem>> -> memref<128x64xf32, #tpu.memory_space<vmem>>
    %dma_start3A_18 = arith.constant 0 : i32
    %dma_start3A_19 = tpu.memref_slice %arg10[%add3A_14, %dma_start3A_18] : memref<10240x64xf32, #tpu.memory_space<vmem_shared>> -> memref<128x64xf32, #tpu.memory_space<vmem_shared>>
    %dma_start3A_20 = arith.constant 0 : i32
    %dma_start3A_21 = tpu.memref_slice %arg10[%add3A_14, %dma_start3A_20] : memref<10240x64xf32, #tpu.memory_space<vmem_shared>> -> memref<128x64xf32, #tpu.memory_space<vmem_shared>>
    %dma_start3A_22 = arith.constant 0 : i32
    %dma_start3A_23 = arith.constant 0 : i32
    %dma_start3A_24 = tpu.memref_slice %arg8[%dma_start3A_22, %dma_start3A_23] : memref<128x64xf32, #tpu.memory_space<vmem>> -> memref<128x64xf32, #tpu.memory_space<vmem>>
    tpu.enqueue_dma source(%dma_start3A_24 : memref<128x64xf32, #tpu.memory_space<vmem>>) target(%dma_start3A_21 : memref<128x64xf32, #tpu.memory_space<vmem_shared>>) target_semaphore(%arg14 : memref<!tpu.dma_semaphore, #tpu.memory_space<semaphore_mem>>)
    %add3A_25 = arith.constant 128 : i32
    %add3A_26 = arith.addi %mul3A_13, %add3A_25 : i32
    %dma_start3A_27 = arith.constant 0 : i32
    %dma_start3A_28 = arith.constant 0 : i32
    %dma_start3A_29 = tpu.memref_slice %arg8[%dma_start3A_27, %dma_start3A_28] : memref<128x64xf32, #tpu.memory_space<vmem>> -> memref<128x64xf32, #tpu.memory_space<vmem>>
    %dma_start3A_30 = arith.constant 0 : i32
    %dma_start3A_31 = tpu.memref_slice %arg10[%add3A_26, %dma_start3A_30] : memref<10240x64xf32, #tpu.memory_space<vmem_shared>> -> memref<128x64xf32, #tpu.memory_space<vmem_shared>>
    %dma_start3A_32 = arith.constant 0 : i32
    %dma_start3A_33 = tpu.memref_slice %arg10[%add3A_26, %dma_start3A_32] : memref<10240x64xf32, #tpu.memory_space<vmem_shared>> -> memref<128x64xf32, #tpu.memory_space<vmem_shared>>
    %dma_start3A_34 = arith.constant 0 : i32
    %dma_start3A_35 = arith.constant 0 : i32
    %dma_start3A_36 = tpu.memref_slice %arg8[%dma_start3A_34, %dma_start3A_35] : memref<128x64xf32, #tpu.memory_space<vmem>> -> memref<128x64xf32, #tpu.memory_space<vmem>>
    tpu.enqueue_dma source(%dma_start3A_36 : memref<128x64xf32, #tpu.memory_space<vmem>>) target(%dma_start3A_33 : memref<128x64xf32, #tpu.memory_space<vmem_shared>>) target_semaphore(%arg14 : memref<!tpu.dma_semaphore, #tpu.memory_space<semaphore_mem>>)
    %add3A_37 = arith.constant 256 : i32
    %add3A_38 = arith.addi %mul3A_13, %add3A_37 : i32
    %dma_start3A_39 = arith.constant 0 : i32
    %dma_start3A_40 = arith.constant 0 : i32
    %dma_start3A_41 = tpu.memref_slice %arg8[%dma_start3A_39, %dma_start3A_40] : memref<128x64xf32, #tpu.memory_space<vmem>> -> memref<128x64xf32, #tpu.memory_space<vmem>>
    %dma_start3A_42 = arith.constant 0 : i32
    %dma_start3A_43 = tpu.memref_slice %arg10[%add3A_38, %dma_start3A_42] : memref<10240x64xf32, #tpu.memory_space<vmem_shared>> -> memref<128x64xf32, #tpu.memory_space<vmem_shared>>
    %dma_start3A_44 = arith.constant 0 : i32
    %dma_start3A_45 = tpu.memref_slice %arg10[%add3A_38, %dma_start3A_44] : memref<10240x64xf32, #tpu.memory_space<vmem_shared>> -> memref<128x64xf32, #tpu.memory_space<vmem_shared>>
    %dma_start3A_46 = arith.constant 0 : i32
    %dma_start3A_47 = arith.constant 0 : i32
    %dma_start3A_48 = tpu.memref_slice %arg8[%dma_start3A_46, %dma_start3A_47] : memref<128x64xf32, #tpu.memory_space<vmem>> -> memref<128x64xf32, #tpu.memory_space<vmem>>
    tpu.enqueue_dma source(%dma_start3A_48 : memref<128x64xf32, #tpu.memory_space<vmem>>) target(%dma_start3A_45 : memref<128x64xf32, #tpu.memory_space<vmem_shared>>) target_semaphore(%arg14 : memref<!tpu.dma_semaphore, #tpu.memory_space<semaphore_mem>>)
    %add3A_49 = arith.constant 384 : i32
    %add3A_50 = arith.addi %mul3A_13, %add3A_49 : i32
    %dma_start3A_51 = arith.constant 0 : i32
    %dma_start3A_52 = arith.constant 0 : i32
    %dma_start3A_53 = tpu.memref_slice %arg8[%dma_start3A_51, %dma_start3A_52] : memref<128x64xf32, #tpu.memory_space<vmem>> -> memref<128x64xf32, #tpu.memory_space<vmem>>
    %dma_start3A_54 = arith.constant 0 : i32
    %dma_start3A_55 = tpu.memref_slice %arg10[%add3A_50, %dma_start3A_54] : memref<10240x64xf32, #tpu.memory_space<vmem_shared>> -> memref<128x64xf32, #tpu.memory_space<vmem_shared>>
    %dma_start3A_56 = arith.constant 0 : i32
    %dma_start3A_57 = tpu.memref_slice %arg10[%add3A_50, %dma_start3A_56] : memref<10240x64xf32, #tpu.memory_space<vmem_shared>> -> memref<128x64xf32, #tpu.memory_space<vmem_shared>>
    %dma_start3A_58 = arith.constant 0 : i32
    %dma_start3A_59 = arith.constant 0 : i32
    %dma_start3A_60 = tpu.memref_slice %arg8[%dma_start3A_58, %dma_start3A_59] : memref<128x64xf32, #tpu.memory_space<vmem>> -> memref<128x64xf32, #tpu.memory_space<vmem>>
    tpu.enqueue_dma source(%dma_start3A_60 : memref<128x64xf32, #tpu.memory_space<vmem>>) target(%dma_start3A_57 : memref<128x64xf32, #tpu.memory_space<vmem_shared>>) target_semaphore(%arg14 : memref<!tpu.dma_semaphore, #tpu.memory_space<semaphore_mem>>)
    %add3A_61 = arith.constant 512 : i32
    %add3A_62 = arith.addi %mul3A_13, %add3A_61 : i32
    %dma_start3A_63 = arith.constant 0 : i32
    %dma_start3A_64 = arith.constant 0 : i32
    %dma_start3A_65 = tpu.memref_slice %arg8[%dma_start3A_63, %dma_start3A_64] : memref<128x64xf32, #tpu.memory_space<vmem>> -> memref<128x64xf32, #tpu.memory_space<vmem>>
    %dma_start3A_66 = arith.constant 0 : i32
    %dma_start3A_67 = tpu.memref_slice %arg10[%add3A_62, %dma_start3A_66] : memref<10240x64xf32, #tpu.memory_space<vmem_shared>> -> memref<128x64xf32, #tpu.memory_space<vmem_shared>>
    %dma_start3A_68 = arith.constant 0 : i32
    %dma_start3A_69 = tpu.memref_slice %arg10[%add3A_62, %dma_start3A_68] : memref<10240x64xf32, #tpu.memory_space<vmem_shared>> -> memref<128x64xf32, #tpu.memory_space<vmem_shared>>
    %dma_start3A_70 = arith.constant 0 : i32
    %dma_start3A_71 = arith.constant 0 : i32
    %dma_start3A_72 = tpu.memref_slice %arg8[%dma_start3A_70, %dma_start3A_71] : memref<128x64xf32, #tpu.memory_space<vmem>> -> memref<128x64xf32, #tpu.memory_space<vmem>>
    tpu.enqueue_dma source(%dma_start3A_72 : memref<128x64xf32, #tpu.memory_space<vmem>>) target(%dma_start3A_69 : memref<128x64xf32, #tpu.memory_space<vmem_shared>>) target_semaphore(%arg14 : memref<!tpu.dma_semaphore, #tpu.memory_space<semaphore_mem>>)
    %add3A_73 = arith.constant 0 : i32
    %add3A_74 = arith.addi %mul3A_13, %add3A_73 : i32
    %dma_wait3A = arith.constant 0 : i32
    %dma_wait3A_75 = arith.constant 0 : i32
    %dma_wait3A_76 = tpu.memref_slice %arg8[%dma_wait3A, %dma_wait3A_75] : memref<128x64xf32, #tpu.memory_space<vmem>> -> memref<128x64xf32, #tpu.memory_space<vmem>>
    %dma_wait3A_77 = arith.constant 0 : i32
    %dma_wait3A_78 = tpu.memref_slice %arg10[%add3A_74, %dma_wait3A_77] : memref<10240x64xf32, #tpu.memory_space<vmem_shared>> -> memref<128x64xf32, #tpu.memory_space<vmem_shared>>
    %dma_wait3A_79 = arith.constant 0 : i32
    %dma_wait3A_80 = tpu.memref_slice %arg10[%add3A_74, %dma_wait3A_79] : memref<10240x64xf32, #tpu.memory_space<vmem_shared>> -> memref<128x64xf32, #tpu.memory_space<vmem_shared>>
    %dma_wait3A_81 = arith.constant 0 : i32
    %dma_wait3A_82 = arith.constant 0 : i32
    %dma_wait3A_83 = tpu.memref_slice %arg8[%dma_wait3A_81, %dma_wait3A_82] : memref<128x64xf32, #tpu.memory_space<vmem>> -> memref<128x64xf32, #tpu.memory_space<vmem>>
    tpu.wait_dma2 semaphore(%arg14 : memref<!tpu.dma_semaphore, #tpu.memory_space<semaphore_mem>>) src(%dma_wait3A_83 : memref<128x64xf32, #tpu.memory_space<vmem>>) dst(%dma_wait3A_80 : memref<128x64xf32, #tpu.memory_space<vmem_shared>>)
    %add3A_84 = arith.constant 128 : i32
    %add3A_85 = arith.addi %mul3A_13, %add3A_84 : i32
    %dma_wait3A_86 = arith.constant 0 : i32
    %dma_wait3A_87 = arith.constant 0 : i32
    %dma_wait3A_88 = tpu.memref_slice %arg8[%dma_wait3A_86, %dma_wait3A_87] : memref<128x64xf32, #tpu.memory_space<vmem>> -> memref<128x64xf32, #tpu.memory_space<vmem>>
    %dma_wait3A_89 = arith.constant 0 : i32
    %dma_wait3A_90 = tpu.memref_slice %arg10[%add3A_85, %dma_wait3A_89] : memref<10240x64xf32, #tpu.memory_space<vmem_shared>> -> memref<128x64xf32, #tpu.memory_space<vmem_shared>>
    %dma_wait3A_91 = arith.constant 0 : i32
    %dma_wait3A_92 = tpu.memref_slice %arg10[%add3A_85, %dma_wait3A_91] : memref<10240x64xf32, #tpu.memory_space<vmem_shared>> -> memref<128x64xf32, #tpu.memory_space<vmem_shared>>
    %dma_wait3A_93 = arith.constant 0 : i32
    %dma_wait3A_94 = arith.constant 0 : i32
    %dma_wait3A_95 = tpu.memref_slice %arg8[%dma_wait3A_93, %dma_wait3A_94] : memref<128x64xf32, #tpu.memory_space<vmem>> -> memref<128x64xf32, #tpu.memory_space<vmem>>
    tpu.wait_dma2 semaphore(%arg14 : memref<!tpu.dma_semaphore, #tpu.memory_space<semaphore_mem>>) src(%dma_wait3A_95 : memref<128x64xf32, #tpu.memory_space<vmem>>) dst(%dma_wait3A_92 : memref<128x64xf32, #tpu.memory_space<vmem_shared>>)
    %add3A_96 = arith.constant 256 : i32
    %add3A_97 = arith.addi %mul3A_13, %add3A_96 : i32
    %dma_wait3A_98 = arith.constant 0 : i32
    %dma_wait3A_99 = arith.constant 0 : i32
    %dma_wait3A_100 = tpu.memref_slice %arg8[%dma_wait3A_98, %dma_wait3A_99] : memref<128x64xf32, #tpu.memory_space<vmem>> -> memref<128x64xf32, #tpu.memory_space<vmem>>
    %dma_wait3A_101 = arith.constant 0 : i32
    %dma_wait3A_102 = tpu.memref_slice %arg10[%add3A_97, %dma_wait3A_101] : memref<10240x64xf32, #tpu.memory_space<vmem_shared>> -> memref<128x64xf32, #tpu.memory_space<vmem_shared>>
    %dma_wait3A_103 = arith.constant 0 : i32
    %dma_wait3A_104 = tpu.memref_slice %arg10[%add3A_97, %dma_wait3A_103] : memref<10240x64xf32, #tpu.memory_space<vmem_shared>> -> memref<128x64xf32, #tpu.memory_space<vmem_shared>>
    %dma_wait3A_105 = arith.constant 0 : i32
    %dma_wait3A_106 = arith.constant 0 : i32
    %dma_wait3A_107 = tpu.memref_slice %arg8[%dma_wait3A_105, %dma_wait3A_106] : memref<128x64xf32, #tpu.memory_space<vmem>> -> memref<128x64xf32, #tpu.memory_space<vmem>>
    tpu.wait_dma2 semaphore(%arg14 : memref<!tpu.dma_semaphore, #tpu.memory_space<semaphore_mem>>) src(%dma_wait3A_107 : memref<128x64xf32, #tpu.memory_space<vmem>>) dst(%dma_wait3A_104 : memref<128x64xf32, #tpu.memory_space<vmem_shared>>)
    %add3A_108 = arith.constant 384 : i32
    %add3A_109 = arith.addi %mul3A_13, %add3A_108 : i32
    %dma_wait3A_110 = arith.constant 0 : i32
    %dma_wait3A_111 = arith.constant 0 : i32
    %dma_wait3A_112 = tpu.memref_slice %arg8[%dma_wait3A_110, %dma_wait3A_111] : memref<128x64xf32, #tpu.memory_space<vmem>> -> memref<128x64xf32, #tpu.memory_space<vmem>>
    %dma_wait3A_113 = arith.constant 0 : i32
    %dma_wait3A_114 = tpu.memref_slice %arg10[%add3A_109, %dma_wait3A_113] : memref<10240x64xf32, #tpu.memory_space<vmem_shared>> -> memref<128x64xf32, #tpu.memory_space<vmem_shared>>
    %dma_wait3A_115 = arith.constant 0 : i32
    %dma_wait3A_116 = tpu.memref_slice %arg10[%add3A_109, %dma_wait3A_115] : memref<10240x64xf32, #tpu.memory_space<vmem_shared>> -> memref<128x64xf32, #tpu.memory_space<vmem_shared>>
    %dma_wait3A_117 = arith.constant 0 : i32
    %dma_wait3A_118 = arith.constant 0 : i32
    %dma_wait3A_119 = tpu.memref_slice %arg8[%dma_wait3A_117, %dma_wait3A_118] : memref<128x64xf32, #tpu.memory_space<vmem>> -> memref<128x64xf32, #tpu.memory_space<vmem>>
    tpu.wait_dma2 semaphore(%arg14 : memref<!tpu.dma_semaphore, #tpu.memory_space<semaphore_mem>>) src(%dma_wait3A_119 : memref<128x64xf32, #tpu.memory_space<vmem>>) dst(%dma_wait3A_116 : memref<128x64xf32, #tpu.memory_space<vmem_shared>>)
    %add3A_120 = arith.constant 512 : i32
    %add3A_121 = arith.addi %mul3A_13, %add3A_120 : i32
    %dma_wait3A_122 = arith.constant 0 : i32
    %dma_wait3A_123 = arith.constant 0 : i32
    %dma_wait3A_124 = tpu.memref_slice %arg8[%dma_wait3A_122, %dma_wait3A_123] : memref<128x64xf32, #tpu.memory_space<vmem>> -> memref<128x64xf32, #tpu.memory_space<vmem>>
    %dma_wait3A_125 = arith.constant 0 : i32
    %dma_wait3A_126 = tpu.memref_slice %arg10[%add3A_121, %dma_wait3A_125] : memref<10240x64xf32, #tpu.memory_space<vmem_shared>> -> memref<128x64xf32, #tpu.memory_space<vmem_shared>>
    %dma_wait3A_127 = arith.constant 0 : i32
    %dma_wait3A_128 = tpu.memref_slice %arg10[%add3A_121, %dma_wait3A_127] : memref<10240x64xf32, #tpu.memory_space<vmem_shared>> -> memref<128x64xf32, #tpu.memory_space<vmem_shared>>
    %dma_wait3A_129 = arith.constant 0 : i32
    %dma_wait3A_130 = arith.constant 0 : i32
    %dma_wait3A_131 = tpu.memref_slice %arg8[%dma_wait3A_129, %dma_wait3A_130] : memref<128x64xf32, #tpu.memory_space<vmem>> -> memref<128x64xf32, #tpu.memory_space<vmem>>
    tpu.wait_dma2 semaphore(%arg14 : memref<!tpu.dma_semaphore, #tpu.memory_space<semaphore_mem>>) src(%dma_wait3A_131 : memref<128x64xf32, #tpu.memory_space<vmem>>) dst(%dma_wait3A_128 : memref<128x64xf32, #tpu.memory_space<vmem_shared>>)
    %mul3A_132 = arith.constant 640 : i32
    %mul3A_133 = arith.muli %arg1, %mul3A_132 : i32
    %mul3A_134 = arith.constant 640 : i32
    %mul3A_135 = arith.muli %arg1, %mul3A_134 : i32
    %dma_wait3A_136 = arith.constant 0 : i32
    %dma_wait3A_137 = tpu.memref_slice %arg11[%mul3A_135, %dma_wait3A_136] : memref<10240x64xf32, #tpu.memory_space<vmem_shared>> -> memref<640x64xf32, #tpu.memory_space<vmem_shared>>
    %dma_wait3A_138 = arith.constant 0 : i32
    %dma_wait3A_139 = tpu.memref_slice %arg2[%mul3A_133, %dma_wait3A_138] : memref<10240x64xf32, #tpu.memory_space<hbm>> -> memref<640x64xf32, #tpu.memory_space<hbm>>
    tpu.wait_dma2 semaphore(%arg12 : memref<!tpu.dma_semaphore, #tpu.memory_space<semaphore_mem>>) src(%dma_wait3A_139 : memref<640x64xf32, #tpu.memory_space<hbm>>) dst(%dma_wait3A_137 : memref<640x64xf32, #tpu.memory_space<vmem_shared>>)
    %barrier3A = arith.constant 0 : index
    tpu.barrier barrier_id(%barrier3A)
    "tpu.region"() ({
      %run_scoped3A = tpu.sem_alloc : memref<!tpu.dma_semaphore, #tpu.memory_space<semaphore_mem>>
      %dma_start3A_179 = arith.constant 0 : i32
      %dma_start3A_180 = arith.constant 0 : i32
      %dma_start3A_181 = tpu.memref_slice %arg3[%arg0, %arg1, %dma_start3A_179, %dma_start3A_180] : memref<2x16x80x128xi32, #tpu.memory_space<hbm>> -> memref<1x1x80x128xi32, #tpu.memory_space<hbm>>
      %dma_start3A_182 = tpu.memref_squeeze %dma_start3A_181 : memref<1x1x80x128xi32, #tpu.memory_space<hbm>> -> memref<80x128xi32, #tpu.memory_space<hbm>>
      %dma_start3A_183 = arith.constant 0 : i32
      %dma_start3A_184 = arith.constant 0 : i32
      %dma_start3A_185 = tpu.memref_slice %arg3[%arg0, %arg1, %dma_start3A_183, %dma_start3A_184] : memref<2x16x80x128xi32, #tpu.memory_space<hbm>> -> memref<1x1x80x128xi32, #tpu.memory_space<hbm>>
      %dma_start3A_186 = tpu.memref_squeeze %dma_start3A_185 : memref<1x1x80x128xi32, #tpu.memory_space<hbm>> -> memref<80x128xi32, #tpu.memory_space<hbm>>
      tpu.enqueue_dma source(%dma_start3A_186 : memref<80x128xi32, #tpu.memory_space<hbm>>) target(%arg6 : memref<80x128xi32, #tpu.memory_space<vmem>>) target_semaphore(%run_scoped3A : memref<!tpu.dma_semaphore, #tpu.memory_space<semaphore_mem>>)
      %dma_wait3A_187 = arith.constant 0 : i32
      %dma_wait3A_188 = arith.constant 0 : i32
      %dma_wait3A_189 = tpu.memref_slice %arg3[%arg0, %arg1, %dma_wait3A_187, %dma_wait3A_188] : memref<2x16x80x128xi32, #tpu.memory_space<hbm>> -> memref<1x1x80x128xi32, #tpu.memory_space<hbm>>
      %dma_wait3A_190 = tpu.memref_squeeze %dma_wait3A_189 : memref<1x1x80x128xi32, #tpu.memory_space<hbm>> -> memref<80x128xi32, #tpu.memory_space<hbm>>
      %dma_wait3A_191 = arith.constant 0 : i32
      %dma_wait3A_192 = arith.constant 0 : i32
      %dma_wait3A_193 = tpu.memref_slice %arg3[%arg0, %arg1, %dma_wait3A_191, %dma_wait3A_192] : memref<2x16x80x128xi32, #tpu.memory_space<hbm>> -> memref<1x1x80x128xi32, #tpu.memory_space<hbm>>
      %dma_wait3A_194 = tpu.memref_squeeze %dma_wait3A_193 : memref<1x1x80x128xi32, #tpu.memory_space<hbm>> -> memref<80x128xi32, #tpu.memory_space<hbm>>
      tpu.wait_dma2 semaphore(%run_scoped3A : memref<!tpu.dma_semaphore, #tpu.memory_space<semaphore_mem>>) src(%dma_wait3A_194 : memref<80x128xi32, #tpu.memory_space<hbm>>) dst(%arg6 : memref<80x128xi32, #tpu.memory_space<vmem>>)
      tpu.yield
    }) : () -> ()
    "tpu.region"() ({
      %run_scoped3A = tpu.sem_alloc : memref<!tpu.dma_semaphore, #tpu.memory_space<semaphore_mem>>
      %dma_start3A_179 = arith.constant 0 : i32
      %dma_start3A_180 = arith.constant 0 : i32
      %dma_start3A_181 = tpu.memref_slice %arg4[%arg0, %arg1, %dma_start3A_179, %dma_start3A_180] : memref<2x16x80x128xi32, #tpu.memory_space<hbm>> -> memref<1x1x80x128xi32, #tpu.memory_space<hbm>>
      %dma_start3A_182 = tpu.memref_squeeze %dma_start3A_181 : memref<1x1x80x128xi32, #tpu.memory_space<hbm>> -> memref<80x128xi32, #tpu.memory_space<hbm>>
      %dma_start3A_183 = arith.constant 0 : i32
      %dma_start3A_184 = arith.constant 0 : i32
      %dma_start3A_185 = tpu.memref_slice %arg4[%arg0, %arg1, %dma_start3A_183, %dma_start3A_184] : memref<2x16x80x128xi32, #tpu.memory_space<hbm>> -> memref<1x1x80x128xi32, #tpu.memory_space<hbm>>
      %dma_start3A_186 = tpu.memref_squeeze %dma_start3A_185 : memref<1x1x80x128xi32, #tpu.memory_space<hbm>> -> memref<80x128xi32, #tpu.memory_space<hbm>>
      tpu.enqueue_dma source(%dma_start3A_186 : memref<80x128xi32, #tpu.memory_space<hbm>>) target(%arg7 : memref<80x128xi32, #tpu.memory_space<vmem>>) target_semaphore(%run_scoped3A : memref<!tpu.dma_semaphore, #tpu.memory_space<semaphore_mem>>)
      %dma_wait3A_187 = arith.constant 0 : i32
      %dma_wait3A_188 = arith.constant 0 : i32
      %dma_wait3A_189 = tpu.memref_slice %arg4[%arg0, %arg1, %dma_wait3A_187, %dma_wait3A_188] : memref<2x16x80x128xi32, #tpu.memory_space<hbm>> -> memref<1x1x80x128xi32, #tpu.memory_space<hbm>>
      %dma_wait3A_190 = tpu.memref_squeeze %dma_wait3A_189 : memref<1x1x80x128xi32, #tpu.memory_space<hbm>> -> memref<80x128xi32, #tpu.memory_space<hbm>>
      %dma_wait3A_191 = arith.constant 0 : i32
      %dma_wait3A_192 = arith.constant 0 : i32
      %dma_wait3A_193 = tpu.memref_slice %arg4[%arg0, %arg1, %dma_wait3A_191, %dma_wait3A_192] : memref<2x16x80x128xi32, #tpu.memory_space<hbm>> -> memref<1x1x80x128xi32, #tpu.memory_space<hbm>>
      %dma_wait3A_194 = tpu.memref_squeeze %dma_wait3A_193 : memref<1x1x80x128xi32, #tpu.memory_space<hbm>> -> memref<80x128xi32, #tpu.memory_space<hbm>>
      tpu.wait_dma2 semaphore(%run_scoped3A : memref<!tpu.dma_semaphore, #tpu.memory_space<semaphore_mem>>) src(%dma_wait3A_194 : memref<80x128xi32, #tpu.memory_space<hbm>>) dst(%arg7 : memref<80x128xi32, #tpu.memory_space<vmem>>)
      tpu.yield
    }) : () -> ()
    %dma_start3A_140 = arith.constant 0 : i32
    %dma_start3A_141 = arith.constant 0 : i32
    %dma_start3A_142 = tpu.memref_slice %arg6[%dma_start3A_140, %dma_start3A_141] : memref<80x128xi32, #tpu.memory_space<vmem>> -> memref<1x128xi32, #tpu.memory_space<vmem>>
    %dma_start3A_143 = tpu.memref_squeeze %dma_start3A_142 : memref<1x128xi32, #tpu.memory_space<vmem>> -> memref<128xi32, #tpu.memory_space<vmem>>
    %dma_start3A_144 = arith.constant 0 : i32
    %dma_start3A_145 = arith.constant 0 : i32
    %dma_start3A_146 = tpu.memref_slice %arg11[%dma_start3A_144, %dma_start3A_145] : memref<10240x64xf32, #tpu.memory_space<vmem_shared>> -> memref<10240x64xf32, #tpu.memory_space<vmem_shared>>
    tpu.enqueue_indirect_dma source(%dma_start3A_146 : memref<10240x64xf32, #tpu.memory_space<vmem_shared>>) target(%arg8 : memref<128x64xf32, #tpu.memory_space<vmem>>) offsets(%dma_start3A_143 : memref<128xi32, #tpu.memory_space<vmem>>) semaphore(%arg12 : memref<!tpu.dma_semaphore, #tpu.memory_space<semaphore_mem>>)
    %dma_start3A_147 = arith.constant 1 : i32
    %dma_start3A_148 = arith.constant 0 : i32
    %dma_start3A_149 = tpu.memref_slice %arg6[%dma_start3A_147, %dma_start3A_148] : memref<80x128xi32, #tpu.memory_space<vmem>> -> memref<1x128xi32, #tpu.memory_space<vmem>>
    %dma_start3A_150 = tpu.memref_squeeze %dma_start3A_149 : memref<1x128xi32, #tpu.memory_space<vmem>> -> memref<128xi32, #tpu.memory_space<vmem>>
    %dma_start3A_151 = arith.constant 0 : i32
    %dma_start3A_152 = arith.constant 0 : i32
    %dma_start3A_153 = tpu.memref_slice %arg11[%dma_start3A_151, %dma_start3A_152] : memref<10240x64xf32, #tpu.memory_space<vmem_shared>> -> memref<10240x64xf32, #tpu.memory_space<vmem_shared>>
    tpu.enqueue_indirect_dma source(%dma_start3A_153 : memref<10240x64xf32, #tpu.memory_space<vmem_shared>>) target(%arg9 : memref<128x64xf32, #tpu.memory_space<vmem>>) offsets(%dma_start3A_150 : memref<128xi32, #tpu.memory_space<vmem>>) semaphore(%arg13 : memref<!tpu.dma_semaphore, #tpu.memory_space<semaphore_mem>>)
    %scan3A_154 = arith.constant 0 : i32
    %scan3A_155 = arith.constant 0 : i32
    %scan3A_156 = arith.constant 40 : i32
    %scan3A_157 = arith.addi %scan3A_155, %scan3A_156 : i32
    %scan3A_158 = arith.constant 1 : i32
    scf.for %scan3A_179 = %scan3A_155 to %scan3A_157 step %scan3A_158  : i32 {
      %mul3A_180 = arith.constant 2 : i32
      %mul3A_181 = arith.muli %mul3A_180, %scan3A_179 : i32
      %add3A_182 = arith.constant 0 : i32
      %add3A_183 = arith.addi %mul3A_181, %add3A_182 : i32
      %dma_wait3A_184 = arith.constant 0 : i32
      %dma_wait3A_185 = tpu.memref_slice %arg6[%add3A_183, %dma_wait3A_184] : memref<80x128xi32, #tpu.memory_space<vmem>> -> memref<1x128xi32, #tpu.memory_space<vmem>>
      %dma_wait3A_186 = tpu.memref_squeeze %dma_wait3A_185 : memref<1x128xi32, #tpu.memory_space<vmem>> -> memref<128xi32, #tpu.memory_space<vmem>>
      %dma_wait3A_187 = arith.constant 0 : i32
      %dma_wait3A_188 = arith.constant 0 : i32
      %dma_wait3A_189 = tpu.memref_slice %arg11[%dma_wait3A_187, %dma_wait3A_188] : memref<10240x64xf32, #tpu.memory_space<vmem_shared>> -> memref<10240x64xf32, #tpu.memory_space<vmem_shared>>
      tpu.wait_indirect_dma semaphore(%arg12 : memref<!tpu.dma_semaphore, #tpu.memory_space<semaphore_mem>>) src(%dma_wait3A_189 : memref<10240x64xf32, #tpu.memory_space<vmem_shared>>) dst(%arg8 : memref<128x64xf32, #tpu.memory_space<vmem>>)
      %dma_start3A_190 = arith.constant 0 : i32
      %dma_start3A_191 = tpu.memref_slice %arg7[%add3A_183, %dma_start3A_190] : memref<80x128xi32, #tpu.memory_space<vmem>> -> memref<1x128xi32, #tpu.memory_space<vmem>>
      %dma_start3A_192 = tpu.memref_squeeze %dma_start3A_191 : memref<1x128xi32, #tpu.memory_space<vmem>> -> memref<128xi32, #tpu.memory_space<vmem>>
      %dma_start3A_193 = arith.constant 0 : i32
      %dma_start3A_194 = arith.constant 0 : i32
      %dma_start3A_195 = tpu.memref_slice %arg10[%dma_start3A_193, %dma_start3A_194] : memref<10240x64xf32, #tpu.memory_space<vmem_shared>> -> memref<10240x64xf32, #tpu.memory_space<vmem_shared>>
      tpu.enqueue_indirect_dma source(%arg8 : memref<128x64xf32, #tpu.memory_space<vmem>>) target(%dma_start3A_195 : memref<10240x64xf32, #tpu.memory_space<vmem_shared>>) offsets(%dma_start3A_192 : memref<128xi32, #tpu.memory_space<vmem>>) semaphore(%arg14 : memref<!tpu.dma_semaphore, #tpu.memory_space<semaphore_mem>>) {add = true}
      %mul3A_196 = arith.constant 2 : i32
      %mul3A_197 = arith.muli %mul3A_196, %scan3A_179 : i32
      %add3A_198 = arith.constant 1 : i32
      %add3A_199 = arith.addi %mul3A_197, %add3A_198 : i32
      %dma_wait3A_200 = arith.constant 0 : i32
      %dma_wait3A_201 = tpu.memref_slice %arg6[%add3A_199, %dma_wait3A_200] : memref<80x128xi32, #tpu.memory_space<vmem>> -> memref<1x128xi32, #tpu.memory_space<vmem>>
      %dma_wait3A_202 = tpu.memref_squeeze %dma_wait3A_201 : memref<1x128xi32, #tpu.memory_space<vmem>> -> memref<128xi32, #tpu.memory_space<vmem>>
      %dma_wait3A_203 = arith.constant 0 : i32
      %dma_wait3A_204 = arith.constant 0 : i32
      %dma_wait3A_205 = tpu.memref_slice %arg11[%dma_wait3A_203, %dma_wait3A_204] : memref<10240x64xf32, #tpu.memory_space<vmem_shared>> -> memref<10240x64xf32, #tpu.memory_space<vmem_shared>>
      tpu.wait_indirect_dma semaphore(%arg13 : memref<!tpu.dma_semaphore, #tpu.memory_space<semaphore_mem>>) src(%dma_wait3A_205 : memref<10240x64xf32, #tpu.memory_space<vmem_shared>>) dst(%arg9 : memref<128x64xf32, #tpu.memory_space<vmem>>)
      %dma_start3A_206 = arith.constant 0 : i32
      %dma_start3A_207 = tpu.memref_slice %arg7[%add3A_199, %dma_start3A_206] : memref<80x128xi32, #tpu.memory_space<vmem>> -> memref<1x128xi32, #tpu.memory_space<vmem>>
      %dma_start3A_208 = tpu.memref_squeeze %dma_start3A_207 : memref<1x128xi32, #tpu.memory_space<vmem>> -> memref<128xi32, #tpu.memory_space<vmem>>
      %dma_start3A_209 = arith.constant 0 : i32
      %dma_start3A_210 = arith.constant 0 : i32
      %dma_start3A_211 = tpu.memref_slice %arg10[%dma_start3A_209, %dma_start3A_210] : memref<10240x64xf32, #tpu.memory_space<vmem_shared>> -> memref<10240x64xf32, #tpu.memory_space<vmem_shared>>
      tpu.enqueue_indirect_dma source(%arg9 : memref<128x64xf32, #tpu.memory_space<vmem>>) target(%dma_start3A_211 : memref<10240x64xf32, #tpu.memory_space<vmem_shared>>) offsets(%dma_start3A_208 : memref<128xi32, #tpu.memory_space<vmem>>) semaphore(%arg15 : memref<!tpu.dma_semaphore, #tpu.memory_space<semaphore_mem>>) {add = true}
      %add3A_212 = arith.constant 1 : i32
      %add3A_213 = arith.addi %scan3A_179, %add3A_212 : i32
      %lt3A = arith.constant 40 : i32
      %lt3A_214 = arith.cmpi slt, %add3A_213, %lt3A : i32
      %mul3A_215 = arith.constant 2 : i32
      %mul3A_216 = arith.muli %mul3A_215, %scan3A_179 : i32
      %add3A_217 = arith.constant 0 : i32
      %add3A_218 = arith.addi %mul3A_216, %add3A_217 : i32
      %add3A_219 = arith.constant 2 : i32
      %add3A_220 = arith.addi %add3A_218, %add3A_219 : i32
      %jit3A = arith.constant 0 : i32
      %select_n3A = arith.select %lt3A_214, %add3A_220, %jit3A : i32
      %dma_wait3A_221 = arith.constant 0 : i32
      %dma_wait3A_222 = arith.constant 0 : i32
      %dma_wait3A_223 = tpu.memref_slice %arg7[%dma_wait3A_221, %dma_wait3A_222] : memref<80x128xi32, #tpu.memory_space<vmem>> -> memref<1x128xi32, #tpu.memory_space<vmem>>
      %dma_wait3A_224 = tpu.memref_squeeze %dma_wait3A_223 : memref<1x128xi32, #tpu.memory_space<vmem>> -> memref<128xi32, #tpu.memory_space<vmem>>
      %dma_wait3A_225 = arith.constant 0 : i32
      %dma_wait3A_226 = arith.constant 0 : i32
      %dma_wait3A_227 = tpu.memref_slice %arg10[%dma_wait3A_225, %dma_wait3A_226] : memref<10240x64xf32, #tpu.memory_space<vmem_shared>> -> memref<10240x64xf32, #tpu.memory_space<vmem_shared>>
      tpu.wait_indirect_dma semaphore(%arg14 : memref<!tpu.dma_semaphore, #tpu.memory_space<semaphore_mem>>) src(%arg8 : memref<128x64xf32, #tpu.memory_space<vmem>>) dst(%dma_wait3A_227 : memref<10240x64xf32, #tpu.memory_space<vmem_shared>>)
      %dma_start3A_228 = arith.constant 0 : i32
      %dma_start3A_229 = tpu.memref_slice %arg6[%select_n3A, %dma_start3A_228] : memref<80x128xi32, #tpu.memory_space<vmem>> -> memref<1x128xi32, #tpu.memory_space<vmem>>
      %dma_start3A_230 = tpu.memref_squeeze %dma_start3A_229 : memref<1x128xi32, #tpu.memory_space<vmem>> -> memref<128xi32, #tpu.memory_space<vmem>>
      %dma_start3A_231 = arith.constant 0 : i32
      %dma_start3A_232 = arith.constant 0 : i32
      %dma_start3A_233 = tpu.memref_slice %arg11[%dma_start3A_231, %dma_start3A_232] : memref<10240x64xf32, #tpu.memory_space<vmem_shared>> -> memref<10240x64xf32, #tpu.memory_space<vmem_shared>>
      tpu.enqueue_indirect_dma source(%dma_start3A_233 : memref<10240x64xf32, #tpu.memory_space<vmem_shared>>) target(%arg8 : memref<128x64xf32, #tpu.memory_space<vmem>>) offsets(%dma_start3A_230 : memref<128xi32, #tpu.memory_space<vmem>>) semaphore(%arg12 : memref<!tpu.dma_semaphore, #tpu.memory_space<semaphore_mem>>)
      %add3A_234 = arith.constant 1 : i32
      %add3A_235 = arith.addi %scan3A_179, %add3A_234 : i32
      %lt3A_236 = arith.constant 40 : i32
      %lt3A_237 = arith.cmpi slt, %add3A_235, %lt3A_236 : i32
      %mul3A_238 = arith.constant 2 : i32
      %mul3A_239 = arith.muli %mul3A_238, %scan3A_179 : i32
      %add3A_240 = arith.constant 1 : i32
      %add3A_241 = arith.addi %mul3A_239, %add3A_240 : i32
      %add3A_242 = arith.constant 2 : i32
      %add3A_243 = arith.addi %add3A_241, %add3A_242 : i32
      %jit3A_244 = arith.constant 1 : i32
      %select_n3A_245 = arith.select %lt3A_237, %add3A_243, %jit3A_244 : i32
      %dma_wait3A_246 = arith.constant 0 : i32
      %dma_wait3A_247 = arith.constant 0 : i32
      %dma_wait3A_248 = tpu.memref_slice %arg7[%dma_wait3A_246, %dma_wait3A_247] : memref<80x128xi32, #tpu.memory_space<vmem>> -> memref<1x128xi32, #tpu.memory_space<vmem>>
      %dma_wait3A_249 = tpu.memref_squeeze %dma_wait3A_248 : memref<1x128xi32, #tpu.memory_space<vmem>> -> memref<128xi32, #tpu.memory_space<vmem>>
      %dma_wait3A_250 = arith.constant 0 : i32
      %dma_wait3A_251 = arith.constant 0 : i32
      %dma_wait3A_252 = tpu.memref_slice %arg10[%dma_wait3A_250, %dma_wait3A_251] : memref<10240x64xf32, #tpu.memory_space<vmem_shared>> -> memref<10240x64xf32, #tpu.memory_space<vmem_shared>>
      tpu.wait_indirect_dma semaphore(%arg15 : memref<!tpu.dma_semaphore, #tpu.memory_space<semaphore_mem>>) src(%arg9 : memref<128x64xf32, #tpu.memory_space<vmem>>) dst(%dma_wait3A_252 : memref<10240x64xf32, #tpu.memory_space<vmem_shared>>)
      %dma_start3A_253 = arith.constant 0 : i32
      %dma_start3A_254 = tpu.memref_slice %arg6[%select_n3A_245, %dma_start3A_253] : memref<80x128xi32, #tpu.memory_space<vmem>> -> memref<1x128xi32, #tpu.memory_space<vmem>>
      %dma_start3A_255 = tpu.memref_squeeze %dma_start3A_254 : memref<1x128xi32, #tpu.memory_space<vmem>> -> memref<128xi32, #tpu.memory_space<vmem>>
      %dma_start3A_256 = arith.constant 0 : i32
      %dma_start3A_257 = arith.constant 0 : i32
      %dma_start3A_258 = tpu.memref_slice %arg11[%dma_start3A_256, %dma_start3A_257] : memref<10240x64xf32, #tpu.memory_space<vmem_shared>> -> memref<10240x64xf32, #tpu.memory_space<vmem_shared>>
      tpu.enqueue_indirect_dma source(%dma_start3A_258 : memref<10240x64xf32, #tpu.memory_space<vmem_shared>>) target(%arg9 : memref<128x64xf32, #tpu.memory_space<vmem>>) offsets(%dma_start3A_255 : memref<128xi32, #tpu.memory_space<vmem>>) semaphore(%arg13 : memref<!tpu.dma_semaphore, #tpu.memory_space<semaphore_mem>>)
    }
    %scan3A_159 = arith.constant 40 : i32
    %dma_wait3A_160 = arith.constant 0 : i32
    %dma_wait3A_161 = arith.constant 0 : i32
    %dma_wait3A_162 = tpu.memref_slice %arg6[%dma_wait3A_160, %dma_wait3A_161] : memref<80x128xi32, #tpu.memory_space<vmem>> -> memref<1x128xi32, #tpu.memory_space<vmem>>
    %dma_wait3A_163 = tpu.memref_squeeze %dma_wait3A_162 : memref<1x128xi32, #tpu.memory_space<vmem>> -> memref<128xi32, #tpu.memory_space<vmem>>
    %dma_wait3A_164 = arith.constant 0 : i32
    %dma_wait3A_165 = arith.constant 0 : i32
    %dma_wait3A_166 = tpu.memref_slice %arg11[%dma_wait3A_164, %dma_wait3A_165] : memref<10240x64xf32, #tpu.memory_space<vmem_shared>> -> memref<10240x64xf32, #tpu.memory_space<vmem_shared>>
    tpu.wait_indirect_dma semaphore(%arg12 : memref<!tpu.dma_semaphore, #tpu.memory_space<semaphore_mem>>) src(%dma_wait3A_166 : memref<10240x64xf32, #tpu.memory_space<vmem_shared>>) dst(%arg8 : memref<128x64xf32, #tpu.memory_space<vmem>>)
    %dma_wait3A_167 = arith.constant 0 : i32
    %dma_wait3A_168 = arith.constant 0 : i32
    %dma_wait3A_169 = tpu.memref_slice %arg6[%dma_wait3A_167, %dma_wait3A_168] : memref<80x128xi32, #tpu.memory_space<vmem>> -> memref<1x128xi32, #tpu.memory_space<vmem>>
    %dma_wait3A_170 = tpu.memref_squeeze %dma_wait3A_169 : memref<1x128xi32, #tpu.memory_space<vmem>> -> memref<128xi32, #tpu.memory_space<vmem>>
    %dma_wait3A_171 = arith.constant 0 : i32
    %dma_wait3A_172 = arith.constant 0 : i32
    %dma_wait3A_173 = tpu.memref_slice %arg11[%dma_wait3A_171, %dma_wait3A_172] : memref<10240x64xf32, #tpu.memory_space<vmem_shared>> -> memref<10240x64xf32, #tpu.memory_space<vmem_shared>>
    tpu.wait_indirect_dma semaphore(%arg13 : memref<!tpu.dma_semaphore, #tpu.memory_space<semaphore_mem>>) src(%dma_wait3A_173 : memref<10240x64xf32, #tpu.memory_space<vmem_shared>>) dst(%arg9 : memref<128x64xf32, #tpu.memory_space<vmem>>)
    %barrier3A_174 = arith.constant 0 : index
    tpu.barrier barrier_id(%barrier3A_174)
    %mul3A_175 = arith.constant 640 : i32
    %mul3A_176 = arith.muli %arg1, %mul3A_175 : i32
    %mul3A_177 = arith.constant 640 : i32
    %mul3A_178 = arith.muli %arg1, %mul3A_177 : i32
    "tpu.region"() ({
      %run_scoped3A = tpu.sem_alloc : memref<!tpu.dma_semaphore, #tpu.memory_space<semaphore_mem>>
      %dma_start3A_179 = arith.constant 0 : i32
      %dma_start3A_180 = tpu.memref_slice %arg5[%arg0, %mul3A_178, %dma_start3A_179] : memref<2x10240x64xf32, #tpu.memory_space<hbm>> -> memref<1x640x64xf32, #tpu.memory_space<hbm>>
      %dma_start3A_181 = tpu.memref_squeeze %dma_start3A_180 : memref<1x640x64xf32, #tpu.memory_space<hbm>> -> memref<640x64xf32, #tpu.memory_space<hbm>>
      %dma_start3A_182 = arith.constant 0 : i32
      %dma_start3A_183 = tpu.memref_slice %arg10[%mul3A_176, %dma_start3A_182] : memref<10240x64xf32, #tpu.memory_space<vmem_shared>> -> memref<640x64xf32, #tpu.memory_space<vmem_shared>>
      tpu.enqueue_dma source(%dma_start3A_183 : memref<640x64xf32, #tpu.memory_space<vmem_shared>>) target(%dma_start3A_181 : memref<640x64xf32, #tpu.memory_space<hbm>>) target_semaphore(%run_scoped3A : memref<!tpu.dma_semaphore, #tpu.memory_space<semaphore_mem>>)
      %dma_wait3A_184 = arith.constant 0 : i32
      %dma_wait3A_185 = tpu.memref_slice %arg5[%arg0, %mul3A_178, %dma_wait3A_184] : memref<2x10240x64xf32, #tpu.memory_space<hbm>> -> memref<1x640x64xf32, #tpu.memory_space<hbm>>
      %dma_wait3A_186 = tpu.memref_squeeze %dma_wait3A_185 : memref<1x640x64xf32, #tpu.memory_space<hbm>> -> memref<640x64xf32, #tpu.memory_space<hbm>>
      %dma_wait3A_187 = arith.constant 0 : i32
      %dma_wait3A_188 = tpu.memref_slice %arg10[%mul3A_176, %dma_wait3A_187] : memref<10240x64xf32, #tpu.memory_space<vmem_shared>> -> memref<640x64xf32, #tpu.memory_space<vmem_shared>>
      tpu.wait_dma2 semaphore(%run_scoped3A : memref<!tpu.dma_semaphore, #tpu.memory_space<semaphore_mem>>) src(%dma_wait3A_188 : memref<640x64xf32, #tpu.memory_space<vmem_shared>>) dst(%dma_wait3A_186 : memref<640x64xf32, #tpu.memory_space<hbm>>)
      tpu.yield
    }) : () -> ()
    return
  }
}

#map = affine_map<(d0, d1) -> (0, 0, 0, 0)>
#map1 = affine_map<(d0, d1) -> (0, 0, 0)>
module attributes {stable_mosaic.version = 14 : i64} {
  func.func @_sc_deg(%arg0: i32, %arg1: i32, %arg2: memref<2x16x80x128xi32, #tpu.memory_space<hbm>>, %arg3: memref<2x10240x16xf32, #tpu.memory_space<hbm>>, %arg4: memref<80x128xi32, #tpu.memory_space<vmem>>, %arg5: memref<128x16xf32, #tpu.memory_space<vmem>>, %arg6: memref<10240x16xf32, #tpu.memory_space<vmem_shared>>, %arg7: memref<!tpu.dma_semaphore, #tpu.memory_space<semaphore_mem>>) attributes {dimension_semantics = [#tpu.dimension_semantics<core_parallel>, #tpu.dimension_semantics<subcore_parallel>], iteration_bounds = array<i64: 2, 16>, scalar_prefetch = 0 : i64, scratch_operands = 4 : i64, tpu.core_type = #tpu.core_type<sc_vector_subcore>, window_params = [{transform_indices = #map}, {transform_indices = #map1}]} {
    %broadcast_in_dim3A = arith.constant 0.000000e+00 : f32
    %broadcast_in_dim3A_0 = vector.broadcast %broadcast_in_dim3A : f32 to vector<16xf32>
    %scan3A = arith.constant 0 : i32
    %scan3A_1 = arith.constant 0 : i32
    %scan3A_2 = arith.constant 128 : i32
    %scan3A_3 = arith.addi %scan3A_1, %scan3A_2 : i32
    %scan3A_4 = arith.constant 1 : i32
    scf.for %scan3A_149 = %scan3A_1 to %scan3A_3 step %scan3A_4  : i32 {
      %swap3A = arith.index_cast %scan3A_149 : i32 to index
      %swap3A_150 = arith.constant 0 : index
      %swap3A_151 = tpu.vector_load %arg5[%swap3A, %swap3A_150] {strides = array<i32>} : memref<128x16xf32, #tpu.memory_space<vmem>>, vector<1x16xf32>,
      %swap3A_152 = vector.shape_cast %swap3A_151 : vector<1x16xf32> to vector<16xf32>
      %swap3A_153 = vector.shape_cast %broadcast_in_dim3A_0 : vector<16xf32> to vector<1x16xf32>
      tpu.vector_store %arg5[%swap3A, %swap3A_150], %swap3A_153 {strides = array<i32>} : memref<128x16xf32, #tpu.memory_space<vmem>>, vector<1x16xf32>,
    }
    %scan3A_5 = arith.constant 128 : i32
    %mul3A = arith.constant 640 : i32
    %mul3A_6 = arith.muli %arg1, %mul3A : i32
    %add3A = arith.constant 0 : i32
    %add3A_7 = arith.addi %mul3A_6, %add3A : i32
    %dma_start3A = arith.constant 0 : i32
    %dma_start3A_8 = arith.constant 0 : i32
    %dma_start3A_9 = tpu.memref_slice %arg5[%dma_start3A, %dma_start3A_8] : memref<128x16xf32, #tpu.memory_space<vmem>> -> memref<128x16xf32, #tpu.memory_space<vmem>>
    %dma_start3A_10 = arith.constant 0 : i32
    %dma_start3A_11 = tpu.memref_slice %arg6[%add3A_7, %dma_start3A_10] : memref<10240x16xf32, #tpu.memory_space<vmem_shared>> -> memref<128x16xf32, #tpu.memory_space<vmem_shared>>
    %dma_start3A_12 = arith.constant 0 : i32
    %dma_start3A_13 = tpu.memref_slice %arg6[%add3A_7, %dma_start3A_12] : memref<10240x16xf32, #tpu.memory_space<vmem_shared>> -> memref<128x16xf32, #tpu.memory_space<vmem_shared>>
    %dma_start3A_14 = arith.constant 0 : i32
    %dma_start3A_15 = arith.constant 0 : i32
    %dma_start3A_16 = tpu.memref_slice %arg5[%dma_start3A_14, %dma_start3A_15] : memref<128x16xf32, #tpu.memory_space<vmem>> -> memref<128x16xf32, #tpu.memory_space<vmem>>
    tpu.enqueue_dma source(%dma_start3A_16 : memref<128x16xf32, #tpu.memory_space<vmem>>) target(%dma_start3A_13 : memref<128x16xf32, #tpu.memory_space<vmem_shared>>) target_semaphore(%arg7 : memref<!tpu.dma_semaphore, #tpu.memory_space<semaphore_mem>>)
    %add3A_17 = arith.constant 128 : i32
    %add3A_18 = arith.addi %mul3A_6, %add3A_17 : i32
    %dma_start3A_19 = arith.constant 0 : i32
    %dma_start3A_20 = arith.constant 0 : i32
    %dma_start3A_21 = tpu.memref_slice %arg5[%dma_start3A_19, %dma_start3A_20] : memref<128x16xf32, #tpu.memory_space<vmem>> -> memref<128x16xf32, #tpu.memory_space<vmem>>
    %dma_start3A_22 = arith.constant 0 : i32
    %dma_start3A_23 = tpu.memref_slice %arg6[%add3A_18, %dma_start3A_22] : memref<10240x16xf32, #tpu.memory_space<vmem_shared>> -> memref<128x16xf32, #tpu.memory_space<vmem_shared>>
    %dma_start3A_24 = arith.constant 0 : i32
    %dma_start3A_25 = tpu.memref_slice %arg6[%add3A_18, %dma_start3A_24] : memref<10240x16xf32, #tpu.memory_space<vmem_shared>> -> memref<128x16xf32, #tpu.memory_space<vmem_shared>>
    %dma_start3A_26 = arith.constant 0 : i32
    %dma_start3A_27 = arith.constant 0 : i32
    %dma_start3A_28 = tpu.memref_slice %arg5[%dma_start3A_26, %dma_start3A_27] : memref<128x16xf32, #tpu.memory_space<vmem>> -> memref<128x16xf32, #tpu.memory_space<vmem>>
    tpu.enqueue_dma source(%dma_start3A_28 : memref<128x16xf32, #tpu.memory_space<vmem>>) target(%dma_start3A_25 : memref<128x16xf32, #tpu.memory_space<vmem_shared>>) target_semaphore(%arg7 : memref<!tpu.dma_semaphore, #tpu.memory_space<semaphore_mem>>)
    %add3A_29 = arith.constant 256 : i32
    %add3A_30 = arith.addi %mul3A_6, %add3A_29 : i32
    %dma_start3A_31 = arith.constant 0 : i32
    %dma_start3A_32 = arith.constant 0 : i32
    %dma_start3A_33 = tpu.memref_slice %arg5[%dma_start3A_31, %dma_start3A_32] : memref<128x16xf32, #tpu.memory_space<vmem>> -> memref<128x16xf32, #tpu.memory_space<vmem>>
    %dma_start3A_34 = arith.constant 0 : i32
    %dma_start3A_35 = tpu.memref_slice %arg6[%add3A_30, %dma_start3A_34] : memref<10240x16xf32, #tpu.memory_space<vmem_shared>> -> memref<128x16xf32, #tpu.memory_space<vmem_shared>>
    %dma_start3A_36 = arith.constant 0 : i32
    %dma_start3A_37 = tpu.memref_slice %arg6[%add3A_30, %dma_start3A_36] : memref<10240x16xf32, #tpu.memory_space<vmem_shared>> -> memref<128x16xf32, #tpu.memory_space<vmem_shared>>
    %dma_start3A_38 = arith.constant 0 : i32
    %dma_start3A_39 = arith.constant 0 : i32
    %dma_start3A_40 = tpu.memref_slice %arg5[%dma_start3A_38, %dma_start3A_39] : memref<128x16xf32, #tpu.memory_space<vmem>> -> memref<128x16xf32, #tpu.memory_space<vmem>>
    tpu.enqueue_dma source(%dma_start3A_40 : memref<128x16xf32, #tpu.memory_space<vmem>>) target(%dma_start3A_37 : memref<128x16xf32, #tpu.memory_space<vmem_shared>>) target_semaphore(%arg7 : memref<!tpu.dma_semaphore, #tpu.memory_space<semaphore_mem>>)
    %add3A_41 = arith.constant 384 : i32
    %add3A_42 = arith.addi %mul3A_6, %add3A_41 : i32
    %dma_start3A_43 = arith.constant 0 : i32
    %dma_start3A_44 = arith.constant 0 : i32
    %dma_start3A_45 = tpu.memref_slice %arg5[%dma_start3A_43, %dma_start3A_44] : memref<128x16xf32, #tpu.memory_space<vmem>> -> memref<128x16xf32, #tpu.memory_space<vmem>>
    %dma_start3A_46 = arith.constant 0 : i32
    %dma_start3A_47 = tpu.memref_slice %arg6[%add3A_42, %dma_start3A_46] : memref<10240x16xf32, #tpu.memory_space<vmem_shared>> -> memref<128x16xf32, #tpu.memory_space<vmem_shared>>
    %dma_start3A_48 = arith.constant 0 : i32
    %dma_start3A_49 = tpu.memref_slice %arg6[%add3A_42, %dma_start3A_48] : memref<10240x16xf32, #tpu.memory_space<vmem_shared>> -> memref<128x16xf32, #tpu.memory_space<vmem_shared>>
    %dma_start3A_50 = arith.constant 0 : i32
    %dma_start3A_51 = arith.constant 0 : i32
    %dma_start3A_52 = tpu.memref_slice %arg5[%dma_start3A_50, %dma_start3A_51] : memref<128x16xf32, #tpu.memory_space<vmem>> -> memref<128x16xf32, #tpu.memory_space<vmem>>
    tpu.enqueue_dma source(%dma_start3A_52 : memref<128x16xf32, #tpu.memory_space<vmem>>) target(%dma_start3A_49 : memref<128x16xf32, #tpu.memory_space<vmem_shared>>) target_semaphore(%arg7 : memref<!tpu.dma_semaphore, #tpu.memory_space<semaphore_mem>>)
    %add3A_53 = arith.constant 512 : i32
    %add3A_54 = arith.addi %mul3A_6, %add3A_53 : i32
    %dma_start3A_55 = arith.constant 0 : i32
    %dma_start3A_56 = arith.constant 0 : i32
    %dma_start3A_57 = tpu.memref_slice %arg5[%dma_start3A_55, %dma_start3A_56] : memref<128x16xf32, #tpu.memory_space<vmem>> -> memref<128x16xf32, #tpu.memory_space<vmem>>
    %dma_start3A_58 = arith.constant 0 : i32
    %dma_start3A_59 = tpu.memref_slice %arg6[%add3A_54, %dma_start3A_58] : memref<10240x16xf32, #tpu.memory_space<vmem_shared>> -> memref<128x16xf32, #tpu.memory_space<vmem_shared>>
    %dma_start3A_60 = arith.constant 0 : i32
    %dma_start3A_61 = tpu.memref_slice %arg6[%add3A_54, %dma_start3A_60] : memref<10240x16xf32, #tpu.memory_space<vmem_shared>> -> memref<128x16xf32, #tpu.memory_space<vmem_shared>>
    %dma_start3A_62 = arith.constant 0 : i32
    %dma_start3A_63 = arith.constant 0 : i32
    %dma_start3A_64 = tpu.memref_slice %arg5[%dma_start3A_62, %dma_start3A_63] : memref<128x16xf32, #tpu.memory_space<vmem>> -> memref<128x16xf32, #tpu.memory_space<vmem>>
    tpu.enqueue_dma source(%dma_start3A_64 : memref<128x16xf32, #tpu.memory_space<vmem>>) target(%dma_start3A_61 : memref<128x16xf32, #tpu.memory_space<vmem_shared>>) target_semaphore(%arg7 : memref<!tpu.dma_semaphore, #tpu.memory_space<semaphore_mem>>)
    %add3A_65 = arith.constant 0 : i32
    %add3A_66 = arith.addi %mul3A_6, %add3A_65 : i32
    %dma_wait3A = arith.constant 0 : i32
    %dma_wait3A_67 = arith.constant 0 : i32
    %dma_wait3A_68 = tpu.memref_slice %arg5[%dma_wait3A, %dma_wait3A_67] : memref<128x16xf32, #tpu.memory_space<vmem>> -> memref<128x16xf32, #tpu.memory_space<vmem>>
    %dma_wait3A_69 = arith.constant 0 : i32
    %dma_wait3A_70 = tpu.memref_slice %arg6[%add3A_66, %dma_wait3A_69] : memref<10240x16xf32, #tpu.memory_space<vmem_shared>> -> memref<128x16xf32, #tpu.memory_space<vmem_shared>>
    %dma_wait3A_71 = arith.constant 0 : i32
    %dma_wait3A_72 = tpu.memref_slice %arg6[%add3A_66, %dma_wait3A_71] : memref<10240x16xf32, #tpu.memory_space<vmem_shared>> -> memref<128x16xf32, #tpu.memory_space<vmem_shared>>
    %dma_wait3A_73 = arith.constant 0 : i32
    %dma_wait3A_74 = arith.constant 0 : i32
    %dma_wait3A_75 = tpu.memref_slice %arg5[%dma_wait3A_73, %dma_wait3A_74] : memref<128x16xf32, #tpu.memory_space<vmem>> -> memref<128x16xf32, #tpu.memory_space<vmem>>
    tpu.wait_dma2 semaphore(%arg7 : memref<!tpu.dma_semaphore, #tpu.memory_space<semaphore_mem>>) src(%dma_wait3A_75 : memref<128x16xf32, #tpu.memory_space<vmem>>) dst(%dma_wait3A_72 : memref<128x16xf32, #tpu.memory_space<vmem_shared>>)
    %add3A_76 = arith.constant 128 : i32
    %add3A_77 = arith.addi %mul3A_6, %add3A_76 : i32
    %dma_wait3A_78 = arith.constant 0 : i32
    %dma_wait3A_79 = arith.constant 0 : i32
    %dma_wait3A_80 = tpu.memref_slice %arg5[%dma_wait3A_78, %dma_wait3A_79] : memref<128x16xf32, #tpu.memory_space<vmem>> -> memref<128x16xf32, #tpu.memory_space<vmem>>
    %dma_wait3A_81 = arith.constant 0 : i32
    %dma_wait3A_82 = tpu.memref_slice %arg6[%add3A_77, %dma_wait3A_81] : memref<10240x16xf32, #tpu.memory_space<vmem_shared>> -> memref<128x16xf32, #tpu.memory_space<vmem_shared>>
    %dma_wait3A_83 = arith.constant 0 : i32
    %dma_wait3A_84 = tpu.memref_slice %arg6[%add3A_77, %dma_wait3A_83] : memref<10240x16xf32, #tpu.memory_space<vmem_shared>> -> memref<128x16xf32, #tpu.memory_space<vmem_shared>>
    %dma_wait3A_85 = arith.constant 0 : i32
    %dma_wait3A_86 = arith.constant 0 : i32
    %dma_wait3A_87 = tpu.memref_slice %arg5[%dma_wait3A_85, %dma_wait3A_86] : memref<128x16xf32, #tpu.memory_space<vmem>> -> memref<128x16xf32, #tpu.memory_space<vmem>>
    tpu.wait_dma2 semaphore(%arg7 : memref<!tpu.dma_semaphore, #tpu.memory_space<semaphore_mem>>) src(%dma_wait3A_87 : memref<128x16xf32, #tpu.memory_space<vmem>>) dst(%dma_wait3A_84 : memref<128x16xf32, #tpu.memory_space<vmem_shared>>)
    %add3A_88 = arith.constant 256 : i32
    %add3A_89 = arith.addi %mul3A_6, %add3A_88 : i32
    %dma_wait3A_90 = arith.constant 0 : i32
    %dma_wait3A_91 = arith.constant 0 : i32
    %dma_wait3A_92 = tpu.memref_slice %arg5[%dma_wait3A_90, %dma_wait3A_91] : memref<128x16xf32, #tpu.memory_space<vmem>> -> memref<128x16xf32, #tpu.memory_space<vmem>>
    %dma_wait3A_93 = arith.constant 0 : i32
    %dma_wait3A_94 = tpu.memref_slice %arg6[%add3A_89, %dma_wait3A_93] : memref<10240x16xf32, #tpu.memory_space<vmem_shared>> -> memref<128x16xf32, #tpu.memory_space<vmem_shared>>
    %dma_wait3A_95 = arith.constant 0 : i32
    %dma_wait3A_96 = tpu.memref_slice %arg6[%add3A_89, %dma_wait3A_95] : memref<10240x16xf32, #tpu.memory_space<vmem_shared>> -> memref<128x16xf32, #tpu.memory_space<vmem_shared>>
    %dma_wait3A_97 = arith.constant 0 : i32
    %dma_wait3A_98 = arith.constant 0 : i32
    %dma_wait3A_99 = tpu.memref_slice %arg5[%dma_wait3A_97, %dma_wait3A_98] : memref<128x16xf32, #tpu.memory_space<vmem>> -> memref<128x16xf32, #tpu.memory_space<vmem>>
    tpu.wait_dma2 semaphore(%arg7 : memref<!tpu.dma_semaphore, #tpu.memory_space<semaphore_mem>>) src(%dma_wait3A_99 : memref<128x16xf32, #tpu.memory_space<vmem>>) dst(%dma_wait3A_96 : memref<128x16xf32, #tpu.memory_space<vmem_shared>>)
    %add3A_100 = arith.constant 384 : i32
    %add3A_101 = arith.addi %mul3A_6, %add3A_100 : i32
    %dma_wait3A_102 = arith.constant 0 : i32
    %dma_wait3A_103 = arith.constant 0 : i32
    %dma_wait3A_104 = tpu.memref_slice %arg5[%dma_wait3A_102, %dma_wait3A_103] : memref<128x16xf32, #tpu.memory_space<vmem>> -> memref<128x16xf32, #tpu.memory_space<vmem>>
    %dma_wait3A_105 = arith.constant 0 : i32
    %dma_wait3A_106 = tpu.memref_slice %arg6[%add3A_101, %dma_wait3A_105] : memref<10240x16xf32, #tpu.memory_space<vmem_shared>> -> memref<128x16xf32, #tpu.memory_space<vmem_shared>>
    %dma_wait3A_107 = arith.constant 0 : i32
    %dma_wait3A_108 = tpu.memref_slice %arg6[%add3A_101, %dma_wait3A_107] : memref<10240x16xf32, #tpu.memory_space<vmem_shared>> -> memref<128x16xf32, #tpu.memory_space<vmem_shared>>
    %dma_wait3A_109 = arith.constant 0 : i32
    %dma_wait3A_110 = arith.constant 0 : i32
    %dma_wait3A_111 = tpu.memref_slice %arg5[%dma_wait3A_109, %dma_wait3A_110] : memref<128x16xf32, #tpu.memory_space<vmem>> -> memref<128x16xf32, #tpu.memory_space<vmem>>
    tpu.wait_dma2 semaphore(%arg7 : memref<!tpu.dma_semaphore, #tpu.memory_space<semaphore_mem>>) src(%dma_wait3A_111 : memref<128x16xf32, #tpu.memory_space<vmem>>) dst(%dma_wait3A_108 : memref<128x16xf32, #tpu.memory_space<vmem_shared>>)
    %add3A_112 = arith.constant 512 : i32
    %add3A_113 = arith.addi %mul3A_6, %add3A_112 : i32
    %dma_wait3A_114 = arith.constant 0 : i32
    %dma_wait3A_115 = arith.constant 0 : i32
    %dma_wait3A_116 = tpu.memref_slice %arg5[%dma_wait3A_114, %dma_wait3A_115] : memref<128x16xf32, #tpu.memory_space<vmem>> -> memref<128x16xf32, #tpu.memory_space<vmem>>
    %dma_wait3A_117 = arith.constant 0 : i32
    %dma_wait3A_118 = tpu.memref_slice %arg6[%add3A_113, %dma_wait3A_117] : memref<10240x16xf32, #tpu.memory_space<vmem_shared>> -> memref<128x16xf32, #tpu.memory_space<vmem_shared>>
    %dma_wait3A_119 = arith.constant 0 : i32
    %dma_wait3A_120 = tpu.memref_slice %arg6[%add3A_113, %dma_wait3A_119] : memref<10240x16xf32, #tpu.memory_space<vmem_shared>> -> memref<128x16xf32, #tpu.memory_space<vmem_shared>>
    %dma_wait3A_121 = arith.constant 0 : i32
    %dma_wait3A_122 = arith.constant 0 : i32
    %dma_wait3A_123 = tpu.memref_slice %arg5[%dma_wait3A_121, %dma_wait3A_122] : memref<128x16xf32, #tpu.memory_space<vmem>> -> memref<128x16xf32, #tpu.memory_space<vmem>>
    tpu.wait_dma2 semaphore(%arg7 : memref<!tpu.dma_semaphore, #tpu.memory_space<semaphore_mem>>) src(%dma_wait3A_123 : memref<128x16xf32, #tpu.memory_space<vmem>>) dst(%dma_wait3A_120 : memref<128x16xf32, #tpu.memory_space<vmem_shared>>)
    %broadcast_in_dim3A_124 = arith.constant 1.000000e+00 : f32
    %broadcast_in_dim3A_125 = vector.broadcast %broadcast_in_dim3A_124 : f32 to vector<16xf32>
    %scan3A_126 = arith.constant 0 : i32
    %scan3A_127 = arith.constant 0 : i32
    %scan3A_128 = arith.constant 128 : i32
    %scan3A_129 = arith.addi %scan3A_127, %scan3A_128 : i32
    %scan3A_130 = arith.constant 1 : i32
    scf.for %scan3A_149 = %scan3A_127 to %scan3A_129 step %scan3A_130  : i32 {
      %swap3A = arith.index_cast %scan3A_149 : i32 to index
      %swap3A_150 = arith.constant 0 : index
      %swap3A_151 = tpu.vector_load %arg5[%swap3A, %swap3A_150] {strides = array<i32>} : memref<128x16xf32, #tpu.memory_space<vmem>>, vector<1x16xf32>,
      %swap3A_152 = vector.shape_cast %swap3A_151 : vector<1x16xf32> to vector<16xf32>
      %swap3A_153 = vector.shape_cast %broadcast_in_dim3A_125 : vector<16xf32> to vector<1x16xf32>
      tpu.vector_store %arg5[%swap3A, %swap3A_150], %swap3A_153 {strides = array<i32>} : memref<128x16xf32, #tpu.memory_space<vmem>>, vector<1x16xf32>,
    }
    %scan3A_131 = arith.constant 128 : i32
    %barrier3A = arith.constant 0 : index
    tpu.barrier barrier_id(%barrier3A)
    "tpu.region"() ({
      %run_scoped3A = tpu.sem_alloc : memref<!tpu.dma_semaphore, #tpu.memory_space<semaphore_mem>>
      %dma_start3A_149 = arith.constant 0 : i32
      %dma_start3A_150 = arith.constant 0 : i32
      %dma_start3A_151 = tpu.memref_slice %arg2[%arg0, %arg1, %dma_start3A_149, %dma_start3A_150] : memref<2x16x80x128xi32, #tpu.memory_space<hbm>> -> memref<1x1x80x128xi32, #tpu.memory_space<hbm>>
      %dma_start3A_152 = tpu.memref_squeeze %dma_start3A_151 : memref<1x1x80x128xi32, #tpu.memory_space<hbm>> -> memref<80x128xi32, #tpu.memory_space<hbm>>
      %dma_start3A_153 = arith.constant 0 : i32
      %dma_start3A_154 = arith.constant 0 : i32
      %dma_start3A_155 = tpu.memref_slice %arg2[%arg0, %arg1, %dma_start3A_153, %dma_start3A_154] : memref<2x16x80x128xi32, #tpu.memory_space<hbm>> -> memref<1x1x80x128xi32, #tpu.memory_space<hbm>>
      %dma_start3A_156 = tpu.memref_squeeze %dma_start3A_155 : memref<1x1x80x128xi32, #tpu.memory_space<hbm>> -> memref<80x128xi32, #tpu.memory_space<hbm>>
      tpu.enqueue_dma source(%dma_start3A_156 : memref<80x128xi32, #tpu.memory_space<hbm>>) target(%arg4 : memref<80x128xi32, #tpu.memory_space<vmem>>) target_semaphore(%run_scoped3A : memref<!tpu.dma_semaphore, #tpu.memory_space<semaphore_mem>>)
      %dma_wait3A_157 = arith.constant 0 : i32
      %dma_wait3A_158 = arith.constant 0 : i32
      %dma_wait3A_159 = tpu.memref_slice %arg2[%arg0, %arg1, %dma_wait3A_157, %dma_wait3A_158] : memref<2x16x80x128xi32, #tpu.memory_space<hbm>> -> memref<1x1x80x128xi32, #tpu.memory_space<hbm>>
      %dma_wait3A_160 = tpu.memref_squeeze %dma_wait3A_159 : memref<1x1x80x128xi32, #tpu.memory_space<hbm>> -> memref<80x128xi32, #tpu.memory_space<hbm>>
      %dma_wait3A_161 = arith.constant 0 : i32
      %dma_wait3A_162 = arith.constant 0 : i32
      %dma_wait3A_163 = tpu.memref_slice %arg2[%arg0, %arg1, %dma_wait3A_161, %dma_wait3A_162] : memref<2x16x80x128xi32, #tpu.memory_space<hbm>> -> memref<1x1x80x128xi32, #tpu.memory_space<hbm>>
      %dma_wait3A_164 = tpu.memref_squeeze %dma_wait3A_163 : memref<1x1x80x128xi32, #tpu.memory_space<hbm>> -> memref<80x128xi32, #tpu.memory_space<hbm>>
      tpu.wait_dma2 semaphore(%run_scoped3A : memref<!tpu.dma_semaphore, #tpu.memory_space<semaphore_mem>>) src(%dma_wait3A_164 : memref<80x128xi32, #tpu.memory_space<hbm>>) dst(%arg4 : memref<80x128xi32, #tpu.memory_space<vmem>>)
      tpu.yield
    }) : () -> ()
    %scan3A_132 = arith.constant 0 : i32
    %scan3A_133 = arith.constant 0 : i32
    %scan3A_134 = arith.constant 80 : i32
    %scan3A_135 = arith.addi %scan3A_133, %scan3A_134 : i32
    %scan3A_136 = arith.constant 1 : i32
    scf.for %scan3A_149 = %scan3A_133 to %scan3A_135 step %scan3A_136  : i32 {
      %dma_start3A_150 = arith.constant 0 : i32
      %dma_start3A_151 = tpu.memref_slice %arg4[%scan3A_149, %dma_start3A_150] : memref<80x128xi32, #tpu.memory_space<vmem>> -> memref<1x128xi32, #tpu.memory_space<vmem>>
      %dma_start3A_152 = tpu.memref_squeeze %dma_start3A_151 : memref<1x128xi32, #tpu.memory_space<vmem>> -> memref<128xi32, #tpu.memory_space<vmem>>
      %dma_start3A_153 = arith.constant 0 : i32
      %dma_start3A_154 = arith.constant 0 : i32
      %dma_start3A_155 = tpu.memref_slice %arg6[%dma_start3A_153, %dma_start3A_154] : memref<10240x16xf32, #tpu.memory_space<vmem_shared>> -> memref<10240x16xf32, #tpu.memory_space<vmem_shared>>
      tpu.enqueue_indirect_dma source(%arg5 : memref<128x16xf32, #tpu.memory_space<vmem>>) target(%dma_start3A_155 : memref<10240x16xf32, #tpu.memory_space<vmem_shared>>) offsets(%dma_start3A_152 : memref<128xi32, #tpu.memory_space<vmem>>) semaphore(%arg7 : memref<!tpu.dma_semaphore, #tpu.memory_space<semaphore_mem>>) {add = true}
    }
    %scan3A_137 = arith.constant 80 : i32
    %scan3A_138 = arith.constant 0 : i32
    %scan3A_139 = arith.constant 0 : i32
    %scan3A_140 = arith.constant 80 : i32
    %scan3A_141 = arith.addi %scan3A_139, %scan3A_140 : i32
    %scan3A_142 = arith.constant 1 : i32
    scf.for %scan3A_149 = %scan3A_139 to %scan3A_141 step %scan3A_142  : i32 {
      %dma_wait3A_150 = arith.constant 0 : i32
      %dma_wait3A_151 = arith.constant 0 : i32
      %dma_wait3A_152 = tpu.memref_slice %arg4[%dma_wait3A_150, %dma_wait3A_151] : memref<80x128xi32, #tpu.memory_space<vmem>> -> memref<1x128xi32, #tpu.memory_space<vmem>>
      %dma_wait3A_153 = tpu.memref_squeeze %dma_wait3A_152 : memref<1x128xi32, #tpu.memory_space<vmem>> -> memref<128xi32, #tpu.memory_space<vmem>>
      %dma_wait3A_154 = arith.constant 0 : i32
      %dma_wait3A_155 = arith.constant 0 : i32
      %dma_wait3A_156 = tpu.memref_slice %arg6[%dma_wait3A_154, %dma_wait3A_155] : memref<10240x16xf32, #tpu.memory_space<vmem_shared>> -> memref<10240x16xf32, #tpu.memory_space<vmem_shared>>
      tpu.wait_indirect_dma semaphore(%arg7 : memref<!tpu.dma_semaphore, #tpu.memory_space<semaphore_mem>>) src(%arg5 : memref<128x16xf32, #tpu.memory_space<vmem>>) dst(%dma_wait3A_156 : memref<10240x16xf32, #tpu.memory_space<vmem_shared>>)
    }
    %scan3A_143 = arith.constant 80 : i32
    %barrier3A_144 = arith.constant 0 : index
    tpu.barrier barrier_id(%barrier3A_144)
    %mul3A_145 = arith.constant 640 : i32
    %mul3A_146 = arith.muli %arg1, %mul3A_145 : i32
    %mul3A_147 = arith.constant 640 : i32
    %mul3A_148 = arith.muli %arg1, %mul3A_147 : i32
    "tpu.region"() ({
      %run_scoped3A = tpu.sem_alloc : memref<!tpu.dma_semaphore, #tpu.memory_space<semaphore_mem>>
      %dma_start3A_149 = arith.constant 0 : i32
      %dma_start3A_150 = tpu.memref_slice %arg3[%arg0, %mul3A_148, %dma_start3A_149] : memref<2x10240x16xf32, #tpu.memory_space<hbm>> -> memref<1x640x16xf32, #tpu.memory_space<hbm>>
      %dma_start3A_151 = tpu.memref_squeeze %dma_start3A_150 : memref<1x640x16xf32, #tpu.memory_space<hbm>> -> memref<640x16xf32, #tpu.memory_space<hbm>>
      %dma_start3A_152 = arith.constant 0 : i32
      %dma_start3A_153 = tpu.memref_slice %arg6[%mul3A_146, %dma_start3A_152] : memref<10240x16xf32, #tpu.memory_space<vmem_shared>> -> memref<640x16xf32, #tpu.memory_space<vmem_shared>>
      tpu.enqueue_dma source(%dma_start3A_153 : memref<640x16xf32, #tpu.memory_space<vmem_shared>>) target(%dma_start3A_151 : memref<640x16xf32, #tpu.memory_space<hbm>>) target_semaphore(%run_scoped3A : memref<!tpu.dma_semaphore, #tpu.memory_space<semaphore_mem>>)
      %dma_wait3A_154 = arith.constant 0 : i32
      %dma_wait3A_155 = tpu.memref_slice %arg3[%arg0, %mul3A_148, %dma_wait3A_154] : memref<2x10240x16xf32, #tpu.memory_space<hbm>> -> memref<1x640x16xf32, #tpu.memory_space<hbm>>
      %dma_wait3A_156 = tpu.memref_squeeze %dma_wait3A_155 : memref<1x640x16xf32, #tpu.memory_space<hbm>> -> memref<640x16xf32, #tpu.memory_space<hbm>>
      %dma_wait3A_157 = arith.constant 0 : i32
      %dma_wait3A_158 = tpu.memref_slice %arg6[%mul3A_146, %dma_wait3A_157] : memref<10240x16xf32, #tpu.memory_space<vmem_shared>> -> memref<640x16xf32, #tpu.memory_space<vmem_shared>>
      tpu.wait_dma2 semaphore(%run_scoped3A : memref<!tpu.dma_semaphore, #tpu.memory_space<semaphore_mem>>) src(%dma_wait3A_158 : memref<640x16xf32, #tpu.memory_space<vmem_shared>>) dst(%dma_wait3A_156 : memref<640x16xf32, #tpu.memory_space<hbm>>)
      tpu.yield
    }) : () -> ()
    return
  }
}

#map = affine_map<(d0, d1) -> (0, 0)>
#map1 = affine_map<(d0, d1) -> (0, 0, 0, 0)>
#map2 = affine_map<(d0, d1) -> (0, 0, 0)>
module attributes {stable_mosaic.version = 14 : i64} {
  func.func @_sc_agg(%arg0: i32, %arg1: i32, %arg2: memref<10240x64xf32, #tpu.memory_space<hbm>>, %arg3: memref<2x16x80x128xi32, #tpu.memory_space<hbm>>, %arg4: memref<2x16x80x128xi32, #tpu.memory_space<hbm>>, %arg5: memref<2x10240x64xf32, #tpu.memory_space<hbm>>, %arg6: memref<80x128xi32, #tpu.memory_space<vmem>>, %arg7: memref<80x128xi32, #tpu.memory_space<vmem>>, %arg8: memref<128x64xf32, #tpu.memory_space<vmem>>, %arg9: memref<128x64xf32, #tpu.memory_space<vmem>>, %arg10: memref<10240x64xf32, #tpu.memory_space<vmem_shared>>, %arg11: memref<10240x64xf32, #tpu.memory_space<vmem_shared>>, %arg12: memref<!tpu.dma_semaphore, #tpu.memory_space<semaphore_mem>>, %arg13: memref<!tpu.dma_semaphore, #tpu.memory_space<semaphore_mem>>, %arg14: memref<!tpu.dma_semaphore, #tpu.memory_space<semaphore_mem>>, %arg15: memref<!tpu.dma_semaphore, #tpu.memory_space<semaphore_mem>>) attributes {dimension_semantics = [#tpu.dimension_semantics<core_parallel>, #tpu.dimension_semantics<subcore_parallel>], iteration_bounds = array<i64: 2, 16>, scalar_prefetch = 0 : i64, scratch_operands = 10 : i64, tpu.core_type = #tpu.core_type<sc_vector_subcore>, window_params = [{transform_indices = #map}, {transform_indices = #map1}, {transform_indices = #map1}, {transform_indices = #map2}]} {
    %mul3A = arith.constant 640 : i32
    %mul3A_0 = arith.muli %arg1, %mul3A : i32
    %mul3A_1 = arith.constant 640 : i32
    %mul3A_2 = arith.muli %arg1, %mul3A_1 : i32
    %dma_start3A = arith.constant 0 : i32
    %dma_start3A_3 = tpu.memref_slice %arg11[%mul3A_2, %dma_start3A] : memref<10240x64xf32, #tpu.memory_space<vmem_shared>> -> memref<640x64xf32, #tpu.memory_space<vmem_shared>>
    %dma_start3A_4 = arith.constant 0 : i32
    %dma_start3A_5 = tpu.memref_slice %arg2[%mul3A_0, %dma_start3A_4] : memref<10240x64xf32, #tpu.memory_space<hbm>> -> memref<640x64xf32, #tpu.memory_space<hbm>>
    tpu.enqueue_dma source(%dma_start3A_5 : memref<640x64xf32, #tpu.memory_space<hbm>>) target(%dma_start3A_3 : memref<640x64xf32, #tpu.memory_space<vmem_shared>>) target_semaphore(%arg12 : memref<!tpu.dma_semaphore, #tpu.memory_space<semaphore_mem>>)
    %broadcast_in_dim3A = arith.constant 0.000000e+00 : f32
    %broadcast_in_dim3A_6 = vector.broadcast %broadcast_in_dim3A : f32 to vector<16xf32>
    %scan3A = arith.constant 0 : i32
    %scan3A_7 = arith.constant 0 : i32
    %scan3A_8 = arith.constant 128 : i32
    %scan3A_9 = arith.addi %scan3A_7, %scan3A_8 : i32
    %scan3A_10 = arith.constant 1 : i32
    scf.for %scan3A_179 = %scan3A_7 to %scan3A_9 step %scan3A_10  : i32 {
      %swap3A = arith.index_cast %scan3A_179 : i32 to index
      %swap3A_180 = arith.constant 0 : index
      %swap3A_181 = tpu.vector_load %arg8[%swap3A, %swap3A_180] {strides = array<i32>} : memref<128x64xf32, #tpu.memory_space<vmem>>, vector<1x16xf32>,
      %swap3A_182 = vector.shape_cast %swap3A_181 : vector<1x16xf32> to vector<16xf32>
      %swap3A_183 = vector.shape_cast %broadcast_in_dim3A_6 : vector<16xf32> to vector<1x16xf32>
      tpu.vector_store %arg8[%swap3A, %swap3A_180], %swap3A_183 {strides = array<i32>} : memref<128x64xf32, #tpu.memory_space<vmem>>, vector<1x16xf32>,
      %swap3A_184 = arith.index_cast %scan3A_179 : i32 to index
      %swap3A_185 = arith.constant 16 : index
      %swap3A_186 = tpu.vector_load %arg8[%swap3A_184, %swap3A_185] {strides = array<i32>} : memref<128x64xf32, #tpu.memory_space<vmem>>, vector<1x16xf32>,
      %swap3A_187 = vector.shape_cast %swap3A_186 : vector<1x16xf32> to vector<16xf32>
      %swap3A_188 = vector.shape_cast %broadcast_in_dim3A_6 : vector<16xf32> to vector<1x16xf32>
      tpu.vector_store %arg8[%swap3A_184, %swap3A_185], %swap3A_188 {strides = array<i32>} : memref<128x64xf32, #tpu.memory_space<vmem>>, vector<1x16xf32>,
      %swap3A_189 = arith.index_cast %scan3A_179 : i32 to index
      %swap3A_190 = arith.constant 32 : index
      %swap3A_191 = tpu.vector_load %arg8[%swap3A_189, %swap3A_190] {strides = array<i32>} : memref<128x64xf32, #tpu.memory_space<vmem>>, vector<1x16xf32>,
      %swap3A_192 = vector.shape_cast %swap3A_191 : vector<1x16xf32> to vector<16xf32>
      %swap3A_193 = vector.shape_cast %broadcast_in_dim3A_6 : vector<16xf32> to vector<1x16xf32>
      tpu.vector_store %arg8[%swap3A_189, %swap3A_190], %swap3A_193 {strides = array<i32>} : memref<128x64xf32, #tpu.memory_space<vmem>>, vector<1x16xf32>,
      %swap3A_194 = arith.index_cast %scan3A_179 : i32 to index
      %swap3A_195 = arith.constant 48 : index
      %swap3A_196 = tpu.vector_load %arg8[%swap3A_194, %swap3A_195] {strides = array<i32>} : memref<128x64xf32, #tpu.memory_space<vmem>>, vector<1x16xf32>,
      %swap3A_197 = vector.shape_cast %swap3A_196 : vector<1x16xf32> to vector<16xf32>
      %swap3A_198 = vector.shape_cast %broadcast_in_dim3A_6 : vector<16xf32> to vector<1x16xf32>
      tpu.vector_store %arg8[%swap3A_194, %swap3A_195], %swap3A_198 {strides = array<i32>} : memref<128x64xf32, #tpu.memory_space<vmem>>, vector<1x16xf32>,
    }
    %scan3A_11 = arith.constant 128 : i32
    %mul3A_12 = arith.constant 640 : i32
    %mul3A_13 = arith.muli %arg1, %mul3A_12 : i32
    %add3A = arith.constant 0 : i32
    %add3A_14 = arith.addi %mul3A_13, %add3A : i32
    %dma_start3A_15 = arith.constant 0 : i32
    %dma_start3A_16 = arith.constant 0 : i32
    %dma_start3A_17 = tpu.memref_slice %arg8[%dma_start3A_15, %dma_start3A_16] : memref<128x64xf32, #tpu.memory_space<vmem>> -> memref<128x64xf32, #tpu.memory_space<vmem>>
    %dma_start3A_18 = arith.constant 0 : i32
    %dma_start3A_19 = tpu.memref_slice %arg10[%add3A_14, %dma_start3A_18] : memref<10240x64xf32, #tpu.memory_space<vmem_shared>> -> memref<128x64xf32, #tpu.memory_space<vmem_shared>>
    %dma_start3A_20 = arith.constant 0 : i32
    %dma_start3A_21 = tpu.memref_slice %arg10[%add3A_14, %dma_start3A_20] : memref<10240x64xf32, #tpu.memory_space<vmem_shared>> -> memref<128x64xf32, #tpu.memory_space<vmem_shared>>
    %dma_start3A_22 = arith.constant 0 : i32
    %dma_start3A_23 = arith.constant 0 : i32
    %dma_start3A_24 = tpu.memref_slice %arg8[%dma_start3A_22, %dma_start3A_23] : memref<128x64xf32, #tpu.memory_space<vmem>> -> memref<128x64xf32, #tpu.memory_space<vmem>>
    tpu.enqueue_dma source(%dma_start3A_24 : memref<128x64xf32, #tpu.memory_space<vmem>>) target(%dma_start3A_21 : memref<128x64xf32, #tpu.memory_space<vmem_shared>>) target_semaphore(%arg14 : memref<!tpu.dma_semaphore, #tpu.memory_space<semaphore_mem>>)
    %add3A_25 = arith.constant 128 : i32
    %add3A_26 = arith.addi %mul3A_13, %add3A_25 : i32
    %dma_start3A_27 = arith.constant 0 : i32
    %dma_start3A_28 = arith.constant 0 : i32
    %dma_start3A_29 = tpu.memref_slice %arg8[%dma_start3A_27, %dma_start3A_28] : memref<128x64xf32, #tpu.memory_space<vmem>> -> memref<128x64xf32, #tpu.memory_space<vmem>>
    %dma_start3A_30 = arith.constant 0 : i32
    %dma_start3A_31 = tpu.memref_slice %arg10[%add3A_26, %dma_start3A_30] : memref<10240x64xf32, #tpu.memory_space<vmem_shared>> -> memref<128x64xf32, #tpu.memory_space<vmem_shared>>
    %dma_start3A_32 = arith.constant 0 : i32
    %dma_start3A_33 = tpu.memref_slice %arg10[%add3A_26, %dma_start3A_32] : memref<10240x64xf32, #tpu.memory_space<vmem_shared>> -> memref<128x64xf32, #tpu.memory_space<vmem_shared>>
    %dma_start3A_34 = arith.constant 0 : i32
    %dma_start3A_35 = arith.constant 0 : i32
    %dma_start3A_36 = tpu.memref_slice %arg8[%dma_start3A_34, %dma_start3A_35] : memref<128x64xf32, #tpu.memory_space<vmem>> -> memref<128x64xf32, #tpu.memory_space<vmem>>
    tpu.enqueue_dma source(%dma_start3A_36 : memref<128x64xf32, #tpu.memory_space<vmem>>) target(%dma_start3A_33 : memref<128x64xf32, #tpu.memory_space<vmem_shared>>) target_semaphore(%arg14 : memref<!tpu.dma_semaphore, #tpu.memory_space<semaphore_mem>>)
    %add3A_37 = arith.constant 256 : i32
    %add3A_38 = arith.addi %mul3A_13, %add3A_37 : i32
    %dma_start3A_39 = arith.constant 0 : i32
    %dma_start3A_40 = arith.constant 0 : i32
    %dma_start3A_41 = tpu.memref_slice %arg8[%dma_start3A_39, %dma_start3A_40] : memref<128x64xf32, #tpu.memory_space<vmem>> -> memref<128x64xf32, #tpu.memory_space<vmem>>
    %dma_start3A_42 = arith.constant 0 : i32
    %dma_start3A_43 = tpu.memref_slice %arg10[%add3A_38, %dma_start3A_42] : memref<10240x64xf32, #tpu.memory_space<vmem_shared>> -> memref<128x64xf32, #tpu.memory_space<vmem_shared>>
    %dma_start3A_44 = arith.constant 0 : i32
    %dma_start3A_45 = tpu.memref_slice %arg10[%add3A_38, %dma_start3A_44] : memref<10240x64xf32, #tpu.memory_space<vmem_shared>> -> memref<128x64xf32, #tpu.memory_space<vmem_shared>>
    %dma_start3A_46 = arith.constant 0 : i32
    %dma_start3A_47 = arith.constant 0 : i32
    %dma_start3A_48 = tpu.memref_slice %arg8[%dma_start3A_46, %dma_start3A_47] : memref<128x64xf32, #tpu.memory_space<vmem>> -> memref<128x64xf32, #tpu.memory_space<vmem>>
    tpu.enqueue_dma source(%dma_start3A_48 : memref<128x64xf32, #tpu.memory_space<vmem>>) target(%dma_start3A_45 : memref<128x64xf32, #tpu.memory_space<vmem_shared>>) target_semaphore(%arg14 : memref<!tpu.dma_semaphore, #tpu.memory_space<semaphore_mem>>)
    %add3A_49 = arith.constant 384 : i32
    %add3A_50 = arith.addi %mul3A_13, %add3A_49 : i32
    %dma_start3A_51 = arith.constant 0 : i32
    %dma_start3A_52 = arith.constant 0 : i32
    %dma_start3A_53 = tpu.memref_slice %arg8[%dma_start3A_51, %dma_start3A_52] : memref<128x64xf32, #tpu.memory_space<vmem>> -> memref<128x64xf32, #tpu.memory_space<vmem>>
    %dma_start3A_54 = arith.constant 0 : i32
    %dma_start3A_55 = tpu.memref_slice %arg10[%add3A_50, %dma_start3A_54] : memref<10240x64xf32, #tpu.memory_space<vmem_shared>> -> memref<128x64xf32, #tpu.memory_space<vmem_shared>>
    %dma_start3A_56 = arith.constant 0 : i32
    %dma_start3A_57 = tpu.memref_slice %arg10[%add3A_50, %dma_start3A_56] : memref<10240x64xf32, #tpu.memory_space<vmem_shared>> -> memref<128x64xf32, #tpu.memory_space<vmem_shared>>
    %dma_start3A_58 = arith.constant 0 : i32
    %dma_start3A_59 = arith.constant 0 : i32
    %dma_start3A_60 = tpu.memref_slice %arg8[%dma_start3A_58, %dma_start3A_59] : memref<128x64xf32, #tpu.memory_space<vmem>> -> memref<128x64xf32, #tpu.memory_space<vmem>>
    tpu.enqueue_dma source(%dma_start3A_60 : memref<128x64xf32, #tpu.memory_space<vmem>>) target(%dma_start3A_57 : memref<128x64xf32, #tpu.memory_space<vmem_shared>>) target_semaphore(%arg14 : memref<!tpu.dma_semaphore, #tpu.memory_space<semaphore_mem>>)
    %add3A_61 = arith.constant 512 : i32
    %add3A_62 = arith.addi %mul3A_13, %add3A_61 : i32
    %dma_start3A_63 = arith.constant 0 : i32
    %dma_start3A_64 = arith.constant 0 : i32
    %dma_start3A_65 = tpu.memref_slice %arg8[%dma_start3A_63, %dma_start3A_64] : memref<128x64xf32, #tpu.memory_space<vmem>> -> memref<128x64xf32, #tpu.memory_space<vmem>>
    %dma_start3A_66 = arith.constant 0 : i32
    %dma_start3A_67 = tpu.memref_slice %arg10[%add3A_62, %dma_start3A_66] : memref<10240x64xf32, #tpu.memory_space<vmem_shared>> -> memref<128x64xf32, #tpu.memory_space<vmem_shared>>
    %dma_start3A_68 = arith.constant 0 : i32
    %dma_start3A_69 = tpu.memref_slice %arg10[%add3A_62, %dma_start3A_68] : memref<10240x64xf32, #tpu.memory_space<vmem_shared>> -> memref<128x64xf32, #tpu.memory_space<vmem_shared>>
    %dma_start3A_70 = arith.constant 0 : i32
    %dma_start3A_71 = arith.constant 0 : i32
    %dma_start3A_72 = tpu.memref_slice %arg8[%dma_start3A_70, %dma_start3A_71] : memref<128x64xf32, #tpu.memory_space<vmem>> -> memref<128x64xf32, #tpu.memory_space<vmem>>
    tpu.enqueue_dma source(%dma_start3A_72 : memref<128x64xf32, #tpu.memory_space<vmem>>) target(%dma_start3A_69 : memref<128x64xf32, #tpu.memory_space<vmem_shared>>) target_semaphore(%arg14 : memref<!tpu.dma_semaphore, #tpu.memory_space<semaphore_mem>>)
    %add3A_73 = arith.constant 0 : i32
    %add3A_74 = arith.addi %mul3A_13, %add3A_73 : i32
    %dma_wait3A = arith.constant 0 : i32
    %dma_wait3A_75 = arith.constant 0 : i32
    %dma_wait3A_76 = tpu.memref_slice %arg8[%dma_wait3A, %dma_wait3A_75] : memref<128x64xf32, #tpu.memory_space<vmem>> -> memref<128x64xf32, #tpu.memory_space<vmem>>
    %dma_wait3A_77 = arith.constant 0 : i32
    %dma_wait3A_78 = tpu.memref_slice %arg10[%add3A_74, %dma_wait3A_77] : memref<10240x64xf32, #tpu.memory_space<vmem_shared>> -> memref<128x64xf32, #tpu.memory_space<vmem_shared>>
    %dma_wait3A_79 = arith.constant 0 : i32
    %dma_wait3A_80 = tpu.memref_slice %arg10[%add3A_74, %dma_wait3A_79] : memref<10240x64xf32, #tpu.memory_space<vmem_shared>> -> memref<128x64xf32, #tpu.memory_space<vmem_shared>>
    %dma_wait3A_81 = arith.constant 0 : i32
    %dma_wait3A_82 = arith.constant 0 : i32
    %dma_wait3A_83 = tpu.memref_slice %arg8[%dma_wait3A_81, %dma_wait3A_82] : memref<128x64xf32, #tpu.memory_space<vmem>> -> memref<128x64xf32, #tpu.memory_space<vmem>>
    tpu.wait_dma2 semaphore(%arg14 : memref<!tpu.dma_semaphore, #tpu.memory_space<semaphore_mem>>) src(%dma_wait3A_83 : memref<128x64xf32, #tpu.memory_space<vmem>>) dst(%dma_wait3A_80 : memref<128x64xf32, #tpu.memory_space<vmem_shared>>)
    %add3A_84 = arith.constant 128 : i32
    %add3A_85 = arith.addi %mul3A_13, %add3A_84 : i32
    %dma_wait3A_86 = arith.constant 0 : i32
    %dma_wait3A_87 = arith.constant 0 : i32
    %dma_wait3A_88 = tpu.memref_slice %arg8[%dma_wait3A_86, %dma_wait3A_87] : memref<128x64xf32, #tpu.memory_space<vmem>> -> memref<128x64xf32, #tpu.memory_space<vmem>>
    %dma_wait3A_89 = arith.constant 0 : i32
    %dma_wait3A_90 = tpu.memref_slice %arg10[%add3A_85, %dma_wait3A_89] : memref<10240x64xf32, #tpu.memory_space<vmem_shared>> -> memref<128x64xf32, #tpu.memory_space<vmem_shared>>
    %dma_wait3A_91 = arith.constant 0 : i32
    %dma_wait3A_92 = tpu.memref_slice %arg10[%add3A_85, %dma_wait3A_91] : memref<10240x64xf32, #tpu.memory_space<vmem_shared>> -> memref<128x64xf32, #tpu.memory_space<vmem_shared>>
    %dma_wait3A_93 = arith.constant 0 : i32
    %dma_wait3A_94 = arith.constant 0 : i32
    %dma_wait3A_95 = tpu.memref_slice %arg8[%dma_wait3A_93, %dma_wait3A_94] : memref<128x64xf32, #tpu.memory_space<vmem>> -> memref<128x64xf32, #tpu.memory_space<vmem>>
    tpu.wait_dma2 semaphore(%arg14 : memref<!tpu.dma_semaphore, #tpu.memory_space<semaphore_mem>>) src(%dma_wait3A_95 : memref<128x64xf32, #tpu.memory_space<vmem>>) dst(%dma_wait3A_92 : memref<128x64xf32, #tpu.memory_space<vmem_shared>>)
    %add3A_96 = arith.constant 256 : i32
    %add3A_97 = arith.addi %mul3A_13, %add3A_96 : i32
    %dma_wait3A_98 = arith.constant 0 : i32
    %dma_wait3A_99 = arith.constant 0 : i32
    %dma_wait3A_100 = tpu.memref_slice %arg8[%dma_wait3A_98, %dma_wait3A_99] : memref<128x64xf32, #tpu.memory_space<vmem>> -> memref<128x64xf32, #tpu.memory_space<vmem>>
    %dma_wait3A_101 = arith.constant 0 : i32
    %dma_wait3A_102 = tpu.memref_slice %arg10[%add3A_97, %dma_wait3A_101] : memref<10240x64xf32, #tpu.memory_space<vmem_shared>> -> memref<128x64xf32, #tpu.memory_space<vmem_shared>>
    %dma_wait3A_103 = arith.constant 0 : i32
    %dma_wait3A_104 = tpu.memref_slice %arg10[%add3A_97, %dma_wait3A_103] : memref<10240x64xf32, #tpu.memory_space<vmem_shared>> -> memref<128x64xf32, #tpu.memory_space<vmem_shared>>
    %dma_wait3A_105 = arith.constant 0 : i32
    %dma_wait3A_106 = arith.constant 0 : i32
    %dma_wait3A_107 = tpu.memref_slice %arg8[%dma_wait3A_105, %dma_wait3A_106] : memref<128x64xf32, #tpu.memory_space<vmem>> -> memref<128x64xf32, #tpu.memory_space<vmem>>
    tpu.wait_dma2 semaphore(%arg14 : memref<!tpu.dma_semaphore, #tpu.memory_space<semaphore_mem>>) src(%dma_wait3A_107 : memref<128x64xf32, #tpu.memory_space<vmem>>) dst(%dma_wait3A_104 : memref<128x64xf32, #tpu.memory_space<vmem_shared>>)
    %add3A_108 = arith.constant 384 : i32
    %add3A_109 = arith.addi %mul3A_13, %add3A_108 : i32
    %dma_wait3A_110 = arith.constant 0 : i32
    %dma_wait3A_111 = arith.constant 0 : i32
    %dma_wait3A_112 = tpu.memref_slice %arg8[%dma_wait3A_110, %dma_wait3A_111] : memref<128x64xf32, #tpu.memory_space<vmem>> -> memref<128x64xf32, #tpu.memory_space<vmem>>
    %dma_wait3A_113 = arith.constant 0 : i32
    %dma_wait3A_114 = tpu.memref_slice %arg10[%add3A_109, %dma_wait3A_113] : memref<10240x64xf32, #tpu.memory_space<vmem_shared>> -> memref<128x64xf32, #tpu.memory_space<vmem_shared>>
    %dma_wait3A_115 = arith.constant 0 : i32
    %dma_wait3A_116 = tpu.memref_slice %arg10[%add3A_109, %dma_wait3A_115] : memref<10240x64xf32, #tpu.memory_space<vmem_shared>> -> memref<128x64xf32, #tpu.memory_space<vmem_shared>>
    %dma_wait3A_117 = arith.constant 0 : i32
    %dma_wait3A_118 = arith.constant 0 : i32
    %dma_wait3A_119 = tpu.memref_slice %arg8[%dma_wait3A_117, %dma_wait3A_118] : memref<128x64xf32, #tpu.memory_space<vmem>> -> memref<128x64xf32, #tpu.memory_space<vmem>>
    tpu.wait_dma2 semaphore(%arg14 : memref<!tpu.dma_semaphore, #tpu.memory_space<semaphore_mem>>) src(%dma_wait3A_119 : memref<128x64xf32, #tpu.memory_space<vmem>>) dst(%dma_wait3A_116 : memref<128x64xf32, #tpu.memory_space<vmem_shared>>)
    %add3A_120 = arith.constant 512 : i32
    %add3A_121 = arith.addi %mul3A_13, %add3A_120 : i32
    %dma_wait3A_122 = arith.constant 0 : i32
    %dma_wait3A_123 = arith.constant 0 : i32
    %dma_wait3A_124 = tpu.memref_slice %arg8[%dma_wait3A_122, %dma_wait3A_123] : memref<128x64xf32, #tpu.memory_space<vmem>> -> memref<128x64xf32, #tpu.memory_space<vmem>>
    %dma_wait3A_125 = arith.constant 0 : i32
    %dma_wait3A_126 = tpu.memref_slice %arg10[%add3A_121, %dma_wait3A_125] : memref<10240x64xf32, #tpu.memory_space<vmem_shared>> -> memref<128x64xf32, #tpu.memory_space<vmem_shared>>
    %dma_wait3A_127 = arith.constant 0 : i32
    %dma_wait3A_128 = tpu.memref_slice %arg10[%add3A_121, %dma_wait3A_127] : memref<10240x64xf32, #tpu.memory_space<vmem_shared>> -> memref<128x64xf32, #tpu.memory_space<vmem_shared>>
    %dma_wait3A_129 = arith.constant 0 : i32
    %dma_wait3A_130 = arith.constant 0 : i32
    %dma_wait3A_131 = tpu.memref_slice %arg8[%dma_wait3A_129, %dma_wait3A_130] : memref<128x64xf32, #tpu.memory_space<vmem>> -> memref<128x64xf32, #tpu.memory_space<vmem>>
    tpu.wait_dma2 semaphore(%arg14 : memref<!tpu.dma_semaphore, #tpu.memory_space<semaphore_mem>>) src(%dma_wait3A_131 : memref<128x64xf32, #tpu.memory_space<vmem>>) dst(%dma_wait3A_128 : memref<128x64xf32, #tpu.memory_space<vmem_shared>>)
    %mul3A_132 = arith.constant 640 : i32
    %mul3A_133 = arith.muli %arg1, %mul3A_132 : i32
    %mul3A_134 = arith.constant 640 : i32
    %mul3A_135 = arith.muli %arg1, %mul3A_134 : i32
    %dma_wait3A_136 = arith.constant 0 : i32
    %dma_wait3A_137 = tpu.memref_slice %arg11[%mul3A_135, %dma_wait3A_136] : memref<10240x64xf32, #tpu.memory_space<vmem_shared>> -> memref<640x64xf32, #tpu.memory_space<vmem_shared>>
    %dma_wait3A_138 = arith.constant 0 : i32
    %dma_wait3A_139 = tpu.memref_slice %arg2[%mul3A_133, %dma_wait3A_138] : memref<10240x64xf32, #tpu.memory_space<hbm>> -> memref<640x64xf32, #tpu.memory_space<hbm>>
    tpu.wait_dma2 semaphore(%arg12 : memref<!tpu.dma_semaphore, #tpu.memory_space<semaphore_mem>>) src(%dma_wait3A_139 : memref<640x64xf32, #tpu.memory_space<hbm>>) dst(%dma_wait3A_137 : memref<640x64xf32, #tpu.memory_space<vmem_shared>>)
    %barrier3A = arith.constant 0 : index
    tpu.barrier barrier_id(%barrier3A)
    "tpu.region"() ({
      %run_scoped3A = tpu.sem_alloc : memref<!tpu.dma_semaphore, #tpu.memory_space<semaphore_mem>>
      %dma_start3A_179 = arith.constant 0 : i32
      %dma_start3A_180 = arith.constant 0 : i32
      %dma_start3A_181 = tpu.memref_slice %arg3[%arg0, %arg1, %dma_start3A_179, %dma_start3A_180] : memref<2x16x80x128xi32, #tpu.memory_space<hbm>> -> memref<1x1x80x128xi32, #tpu.memory_space<hbm>>
      %dma_start3A_182 = tpu.memref_squeeze %dma_start3A_181 : memref<1x1x80x128xi32, #tpu.memory_space<hbm>> -> memref<80x128xi32, #tpu.memory_space<hbm>>
      %dma_start3A_183 = arith.constant 0 : i32
      %dma_start3A_184 = arith.constant 0 : i32
      %dma_start3A_185 = tpu.memref_slice %arg3[%arg0, %arg1, %dma_start3A_183, %dma_start3A_184] : memref<2x16x80x128xi32, #tpu.memory_space<hbm>> -> memref<1x1x80x128xi32, #tpu.memory_space<hbm>>
      %dma_start3A_186 = tpu.memref_squeeze %dma_start3A_185 : memref<1x1x80x128xi32, #tpu.memory_space<hbm>> -> memref<80x128xi32, #tpu.memory_space<hbm>>
      tpu.enqueue_dma source(%dma_start3A_186 : memref<80x128xi32, #tpu.memory_space<hbm>>) target(%arg6 : memref<80x128xi32, #tpu.memory_space<vmem>>) target_semaphore(%run_scoped3A : memref<!tpu.dma_semaphore, #tpu.memory_space<semaphore_mem>>)
      %dma_wait3A_187 = arith.constant 0 : i32
      %dma_wait3A_188 = arith.constant 0 : i32
      %dma_wait3A_189 = tpu.memref_slice %arg3[%arg0, %arg1, %dma_wait3A_187, %dma_wait3A_188] : memref<2x16x80x128xi32, #tpu.memory_space<hbm>> -> memref<1x1x80x128xi32, #tpu.memory_space<hbm>>
      %dma_wait3A_190 = tpu.memref_squeeze %dma_wait3A_189 : memref<1x1x80x128xi32, #tpu.memory_space<hbm>> -> memref<80x128xi32, #tpu.memory_space<hbm>>
      %dma_wait3A_191 = arith.constant 0 : i32
      %dma_wait3A_192 = arith.constant 0 : i32
      %dma_wait3A_193 = tpu.memref_slice %arg3[%arg0, %arg1, %dma_wait3A_191, %dma_wait3A_192] : memref<2x16x80x128xi32, #tpu.memory_space<hbm>> -> memref<1x1x80x128xi32, #tpu.memory_space<hbm>>
      %dma_wait3A_194 = tpu.memref_squeeze %dma_wait3A_193 : memref<1x1x80x128xi32, #tpu.memory_space<hbm>> -> memref<80x128xi32, #tpu.memory_space<hbm>>
      tpu.wait_dma2 semaphore(%run_scoped3A : memref<!tpu.dma_semaphore, #tpu.memory_space<semaphore_mem>>) src(%dma_wait3A_194 : memref<80x128xi32, #tpu.memory_space<hbm>>) dst(%arg6 : memref<80x128xi32, #tpu.memory_space<vmem>>)
      tpu.yield
    }) : () -> ()
    "tpu.region"() ({
      %run_scoped3A = tpu.sem_alloc : memref<!tpu.dma_semaphore, #tpu.memory_space<semaphore_mem>>
      %dma_start3A_179 = arith.constant 0 : i32
      %dma_start3A_180 = arith.constant 0 : i32
      %dma_start3A_181 = tpu.memref_slice %arg4[%arg0, %arg1, %dma_start3A_179, %dma_start3A_180] : memref<2x16x80x128xi32, #tpu.memory_space<hbm>> -> memref<1x1x80x128xi32, #tpu.memory_space<hbm>>
      %dma_start3A_182 = tpu.memref_squeeze %dma_start3A_181 : memref<1x1x80x128xi32, #tpu.memory_space<hbm>> -> memref<80x128xi32, #tpu.memory_space<hbm>>
      %dma_start3A_183 = arith.constant 0 : i32
      %dma_start3A_184 = arith.constant 0 : i32
      %dma_start3A_185 = tpu.memref_slice %arg4[%arg0, %arg1, %dma_start3A_183, %dma_start3A_184] : memref<2x16x80x128xi32, #tpu.memory_space<hbm>> -> memref<1x1x80x128xi32, #tpu.memory_space<hbm>>
      %dma_start3A_186 = tpu.memref_squeeze %dma_start3A_185 : memref<1x1x80x128xi32, #tpu.memory_space<hbm>> -> memref<80x128xi32, #tpu.memory_space<hbm>>
      tpu.enqueue_dma source(%dma_start3A_186 : memref<80x128xi32, #tpu.memory_space<hbm>>) target(%arg7 : memref<80x128xi32, #tpu.memory_space<vmem>>) target_semaphore(%run_scoped3A : memref<!tpu.dma_semaphore, #tpu.memory_space<semaphore_mem>>)
      %dma_wait3A_187 = arith.constant 0 : i32
      %dma_wait3A_188 = arith.constant 0 : i32
      %dma_wait3A_189 = tpu.memref_slice %arg4[%arg0, %arg1, %dma_wait3A_187, %dma_wait3A_188] : memref<2x16x80x128xi32, #tpu.memory_space<hbm>> -> memref<1x1x80x128xi32, #tpu.memory_space<hbm>>
      %dma_wait3A_190 = tpu.memref_squeeze %dma_wait3A_189 : memref<1x1x80x128xi32, #tpu.memory_space<hbm>> -> memref<80x128xi32, #tpu.memory_space<hbm>>
      %dma_wait3A_191 = arith.constant 0 : i32
      %dma_wait3A_192 = arith.constant 0 : i32
      %dma_wait3A_193 = tpu.memref_slice %arg4[%arg0, %arg1, %dma_wait3A_191, %dma_wait3A_192] : memref<2x16x80x128xi32, #tpu.memory_space<hbm>> -> memref<1x1x80x128xi32, #tpu.memory_space<hbm>>
      %dma_wait3A_194 = tpu.memref_squeeze %dma_wait3A_193 : memref<1x1x80x128xi32, #tpu.memory_space<hbm>> -> memref<80x128xi32, #tpu.memory_space<hbm>>
      tpu.wait_dma2 semaphore(%run_scoped3A : memref<!tpu.dma_semaphore, #tpu.memory_space<semaphore_mem>>) src(%dma_wait3A_194 : memref<80x128xi32, #tpu.memory_space<hbm>>) dst(%arg7 : memref<80x128xi32, #tpu.memory_space<vmem>>)
      tpu.yield
    }) : () -> ()
    %dma_start3A_140 = arith.constant 0 : i32
    %dma_start3A_141 = arith.constant 0 : i32
    %dma_start3A_142 = tpu.memref_slice %arg6[%dma_start3A_140, %dma_start3A_141] : memref<80x128xi32, #tpu.memory_space<vmem>> -> memref<1x128xi32, #tpu.memory_space<vmem>>
    %dma_start3A_143 = tpu.memref_squeeze %dma_start3A_142 : memref<1x128xi32, #tpu.memory_space<vmem>> -> memref<128xi32, #tpu.memory_space<vmem>>
    %dma_start3A_144 = arith.constant 0 : i32
    %dma_start3A_145 = arith.constant 0 : i32
    %dma_start3A_146 = tpu.memref_slice %arg11[%dma_start3A_144, %dma_start3A_145] : memref<10240x64xf32, #tpu.memory_space<vmem_shared>> -> memref<10240x64xf32, #tpu.memory_space<vmem_shared>>
    tpu.enqueue_indirect_dma source(%dma_start3A_146 : memref<10240x64xf32, #tpu.memory_space<vmem_shared>>) target(%arg8 : memref<128x64xf32, #tpu.memory_space<vmem>>) offsets(%dma_start3A_143 : memref<128xi32, #tpu.memory_space<vmem>>) semaphore(%arg12 : memref<!tpu.dma_semaphore, #tpu.memory_space<semaphore_mem>>)
    %dma_start3A_147 = arith.constant 1 : i32
    %dma_start3A_148 = arith.constant 0 : i32
    %dma_start3A_149 = tpu.memref_slice %arg6[%dma_start3A_147, %dma_start3A_148] : memref<80x128xi32, #tpu.memory_space<vmem>> -> memref<1x128xi32, #tpu.memory_space<vmem>>
    %dma_start3A_150 = tpu.memref_squeeze %dma_start3A_149 : memref<1x128xi32, #tpu.memory_space<vmem>> -> memref<128xi32, #tpu.memory_space<vmem>>
    %dma_start3A_151 = arith.constant 0 : i32
    %dma_start3A_152 = arith.constant 0 : i32
    %dma_start3A_153 = tpu.memref_slice %arg11[%dma_start3A_151, %dma_start3A_152] : memref<10240x64xf32, #tpu.memory_space<vmem_shared>> -> memref<10240x64xf32, #tpu.memory_space<vmem_shared>>
    tpu.enqueue_indirect_dma source(%dma_start3A_153 : memref<10240x64xf32, #tpu.memory_space<vmem_shared>>) target(%arg9 : memref<128x64xf32, #tpu.memory_space<vmem>>) offsets(%dma_start3A_150 : memref<128xi32, #tpu.memory_space<vmem>>) semaphore(%arg13 : memref<!tpu.dma_semaphore, #tpu.memory_space<semaphore_mem>>)
    %scan3A_154 = arith.constant 0 : i32
    %scan3A_155 = arith.constant 0 : i32
    %scan3A_156 = arith.constant 40 : i32
    %scan3A_157 = arith.addi %scan3A_155, %scan3A_156 : i32
    %scan3A_158 = arith.constant 1 : i32
    scf.for %scan3A_179 = %scan3A_155 to %scan3A_157 step %scan3A_158  : i32 {
      %mul3A_180 = arith.constant 2 : i32
      %mul3A_181 = arith.muli %mul3A_180, %scan3A_179 : i32
      %add3A_182 = arith.constant 0 : i32
      %add3A_183 = arith.addi %mul3A_181, %add3A_182 : i32
      %dma_wait3A_184 = arith.constant 0 : i32
      %dma_wait3A_185 = tpu.memref_slice %arg6[%add3A_183, %dma_wait3A_184] : memref<80x128xi32, #tpu.memory_space<vmem>> -> memref<1x128xi32, #tpu.memory_space<vmem>>
      %dma_wait3A_186 = tpu.memref_squeeze %dma_wait3A_185 : memref<1x128xi32, #tpu.memory_space<vmem>> -> memref<128xi32, #tpu.memory_space<vmem>>
      %dma_wait3A_187 = arith.constant 0 : i32
      %dma_wait3A_188 = arith.constant 0 : i32
      %dma_wait3A_189 = tpu.memref_slice %arg11[%dma_wait3A_187, %dma_wait3A_188] : memref<10240x64xf32, #tpu.memory_space<vmem_shared>> -> memref<10240x64xf32, #tpu.memory_space<vmem_shared>>
      tpu.wait_indirect_dma semaphore(%arg12 : memref<!tpu.dma_semaphore, #tpu.memory_space<semaphore_mem>>) src(%dma_wait3A_189 : memref<10240x64xf32, #tpu.memory_space<vmem_shared>>) dst(%arg8 : memref<128x64xf32, #tpu.memory_space<vmem>>)
      %dma_start3A_190 = arith.constant 0 : i32
      %dma_start3A_191 = tpu.memref_slice %arg7[%add3A_183, %dma_start3A_190] : memref<80x128xi32, #tpu.memory_space<vmem>> -> memref<1x128xi32, #tpu.memory_space<vmem>>
      %dma_start3A_192 = tpu.memref_squeeze %dma_start3A_191 : memref<1x128xi32, #tpu.memory_space<vmem>> -> memref<128xi32, #tpu.memory_space<vmem>>
      %dma_start3A_193 = arith.constant 0 : i32
      %dma_start3A_194 = arith.constant 0 : i32
      %dma_start3A_195 = tpu.memref_slice %arg10[%dma_start3A_193, %dma_start3A_194] : memref<10240x64xf32, #tpu.memory_space<vmem_shared>> -> memref<10240x64xf32, #tpu.memory_space<vmem_shared>>
      tpu.enqueue_indirect_dma source(%arg8 : memref<128x64xf32, #tpu.memory_space<vmem>>) target(%dma_start3A_195 : memref<10240x64xf32, #tpu.memory_space<vmem_shared>>) offsets(%dma_start3A_192 : memref<128xi32, #tpu.memory_space<vmem>>) semaphore(%arg14 : memref<!tpu.dma_semaphore, #tpu.memory_space<semaphore_mem>>) {add = true}
      %mul3A_196 = arith.constant 2 : i32
      %mul3A_197 = arith.muli %mul3A_196, %scan3A_179 : i32
      %add3A_198 = arith.constant 1 : i32
      %add3A_199 = arith.addi %mul3A_197, %add3A_198 : i32
      %dma_wait3A_200 = arith.constant 0 : i32
      %dma_wait3A_201 = tpu.memref_slice %arg6[%add3A_199, %dma_wait3A_200] : memref<80x128xi32, #tpu.memory_space<vmem>> -> memref<1x128xi32, #tpu.memory_space<vmem>>
      %dma_wait3A_202 = tpu.memref_squeeze %dma_wait3A_201 : memref<1x128xi32, #tpu.memory_space<vmem>> -> memref<128xi32, #tpu.memory_space<vmem>>
      %dma_wait3A_203 = arith.constant 0 : i32
      %dma_wait3A_204 = arith.constant 0 : i32
      %dma_wait3A_205 = tpu.memref_slice %arg11[%dma_wait3A_203, %dma_wait3A_204] : memref<10240x64xf32, #tpu.memory_space<vmem_shared>> -> memref<10240x64xf32, #tpu.memory_space<vmem_shared>>
      tpu.wait_indirect_dma semaphore(%arg13 : memref<!tpu.dma_semaphore, #tpu.memory_space<semaphore_mem>>) src(%dma_wait3A_205 : memref<10240x64xf32, #tpu.memory_space<vmem_shared>>) dst(%arg9 : memref<128x64xf32, #tpu.memory_space<vmem>>)
      %dma_start3A_206 = arith.constant 0 : i32
      %dma_start3A_207 = tpu.memref_slice %arg7[%add3A_199, %dma_start3A_206] : memref<80x128xi32, #tpu.memory_space<vmem>> -> memref<1x128xi32, #tpu.memory_space<vmem>>
      %dma_start3A_208 = tpu.memref_squeeze %dma_start3A_207 : memref<1x128xi32, #tpu.memory_space<vmem>> -> memref<128xi32, #tpu.memory_space<vmem>>
      %dma_start3A_209 = arith.constant 0 : i32
      %dma_start3A_210 = arith.constant 0 : i32
      %dma_start3A_211 = tpu.memref_slice %arg10[%dma_start3A_209, %dma_start3A_210] : memref<10240x64xf32, #tpu.memory_space<vmem_shared>> -> memref<10240x64xf32, #tpu.memory_space<vmem_shared>>
      tpu.enqueue_indirect_dma source(%arg9 : memref<128x64xf32, #tpu.memory_space<vmem>>) target(%dma_start3A_211 : memref<10240x64xf32, #tpu.memory_space<vmem_shared>>) offsets(%dma_start3A_208 : memref<128xi32, #tpu.memory_space<vmem>>) semaphore(%arg15 : memref<!tpu.dma_semaphore, #tpu.memory_space<semaphore_mem>>) {add = true}
      %add3A_212 = arith.constant 1 : i32
      %add3A_213 = arith.addi %scan3A_179, %add3A_212 : i32
      %lt3A = arith.constant 40 : i32
      %lt3A_214 = arith.cmpi slt, %add3A_213, %lt3A : i32
      %mul3A_215 = arith.constant 2 : i32
      %mul3A_216 = arith.muli %mul3A_215, %scan3A_179 : i32
      %add3A_217 = arith.constant 0 : i32
      %add3A_218 = arith.addi %mul3A_216, %add3A_217 : i32
      %add3A_219 = arith.constant 2 : i32
      %add3A_220 = arith.addi %add3A_218, %add3A_219 : i32
      %jit3A = arith.constant 0 : i32
      %select_n3A = arith.select %lt3A_214, %add3A_220, %jit3A : i32
      %dma_wait3A_221 = arith.constant 0 : i32
      %dma_wait3A_222 = arith.constant 0 : i32
      %dma_wait3A_223 = tpu.memref_slice %arg7[%dma_wait3A_221, %dma_wait3A_222] : memref<80x128xi32, #tpu.memory_space<vmem>> -> memref<1x128xi32, #tpu.memory_space<vmem>>
      %dma_wait3A_224 = tpu.memref_squeeze %dma_wait3A_223 : memref<1x128xi32, #tpu.memory_space<vmem>> -> memref<128xi32, #tpu.memory_space<vmem>>
      %dma_wait3A_225 = arith.constant 0 : i32
      %dma_wait3A_226 = arith.constant 0 : i32
      %dma_wait3A_227 = tpu.memref_slice %arg10[%dma_wait3A_225, %dma_wait3A_226] : memref<10240x64xf32, #tpu.memory_space<vmem_shared>> -> memref<10240x64xf32, #tpu.memory_space<vmem_shared>>
      tpu.wait_indirect_dma semaphore(%arg14 : memref<!tpu.dma_semaphore, #tpu.memory_space<semaphore_mem>>) src(%arg8 : memref<128x64xf32, #tpu.memory_space<vmem>>) dst(%dma_wait3A_227 : memref<10240x64xf32, #tpu.memory_space<vmem_shared>>)
      %dma_start3A_228 = arith.constant 0 : i32
      %dma_start3A_229 = tpu.memref_slice %arg6[%select_n3A, %dma_start3A_228] : memref<80x128xi32, #tpu.memory_space<vmem>> -> memref<1x128xi32, #tpu.memory_space<vmem>>
      %dma_start3A_230 = tpu.memref_squeeze %dma_start3A_229 : memref<1x128xi32, #tpu.memory_space<vmem>> -> memref<128xi32, #tpu.memory_space<vmem>>
      %dma_start3A_231 = arith.constant 0 : i32
      %dma_start3A_232 = arith.constant 0 : i32
      %dma_start3A_233 = tpu.memref_slice %arg11[%dma_start3A_231, %dma_start3A_232] : memref<10240x64xf32, #tpu.memory_space<vmem_shared>> -> memref<10240x64xf32, #tpu.memory_space<vmem_shared>>
      tpu.enqueue_indirect_dma source(%dma_start3A_233 : memref<10240x64xf32, #tpu.memory_space<vmem_shared>>) target(%arg8 : memref<128x64xf32, #tpu.memory_space<vmem>>) offsets(%dma_start3A_230 : memref<128xi32, #tpu.memory_space<vmem>>) semaphore(%arg12 : memref<!tpu.dma_semaphore, #tpu.memory_space<semaphore_mem>>)
      %add3A_234 = arith.constant 1 : i32
      %add3A_235 = arith.addi %scan3A_179, %add3A_234 : i32
      %lt3A_236 = arith.constant 40 : i32
      %lt3A_237 = arith.cmpi slt, %add3A_235, %lt3A_236 : i32
      %mul3A_238 = arith.constant 2 : i32
      %mul3A_239 = arith.muli %mul3A_238, %scan3A_179 : i32
      %add3A_240 = arith.constant 1 : i32
      %add3A_241 = arith.addi %mul3A_239, %add3A_240 : i32
      %add3A_242 = arith.constant 2 : i32
      %add3A_243 = arith.addi %add3A_241, %add3A_242 : i32
      %jit3A_244 = arith.constant 1 : i32
      %select_n3A_245 = arith.select %lt3A_237, %add3A_243, %jit3A_244 : i32
      %dma_wait3A_246 = arith.constant 0 : i32
      %dma_wait3A_247 = arith.constant 0 : i32
      %dma_wait3A_248 = tpu.memref_slice %arg7[%dma_wait3A_246, %dma_wait3A_247] : memref<80x128xi32, #tpu.memory_space<vmem>> -> memref<1x128xi32, #tpu.memory_space<vmem>>
      %dma_wait3A_249 = tpu.memref_squeeze %dma_wait3A_248 : memref<1x128xi32, #tpu.memory_space<vmem>> -> memref<128xi32, #tpu.memory_space<vmem>>
      %dma_wait3A_250 = arith.constant 0 : i32
      %dma_wait3A_251 = arith.constant 0 : i32
      %dma_wait3A_252 = tpu.memref_slice %arg10[%dma_wait3A_250, %dma_wait3A_251] : memref<10240x64xf32, #tpu.memory_space<vmem_shared>> -> memref<10240x64xf32, #tpu.memory_space<vmem_shared>>
      tpu.wait_indirect_dma semaphore(%arg15 : memref<!tpu.dma_semaphore, #tpu.memory_space<semaphore_mem>>) src(%arg9 : memref<128x64xf32, #tpu.memory_space<vmem>>) dst(%dma_wait3A_252 : memref<10240x64xf32, #tpu.memory_space<vmem_shared>>)
      %dma_start3A_253 = arith.constant 0 : i32
      %dma_start3A_254 = tpu.memref_slice %arg6[%select_n3A_245, %dma_start3A_253] : memref<80x128xi32, #tpu.memory_space<vmem>> -> memref<1x128xi32, #tpu.memory_space<vmem>>
      %dma_start3A_255 = tpu.memref_squeeze %dma_start3A_254 : memref<1x128xi32, #tpu.memory_space<vmem>> -> memref<128xi32, #tpu.memory_space<vmem>>
      %dma_start3A_256 = arith.constant 0 : i32
      %dma_start3A_257 = arith.constant 0 : i32
      %dma_start3A_258 = tpu.memref_slice %arg11[%dma_start3A_256, %dma_start3A_257] : memref<10240x64xf32, #tpu.memory_space<vmem_shared>> -> memref<10240x64xf32, #tpu.memory_space<vmem_shared>>
      tpu.enqueue_indirect_dma source(%dma_start3A_258 : memref<10240x64xf32, #tpu.memory_space<vmem_shared>>) target(%arg9 : memref<128x64xf32, #tpu.memory_space<vmem>>) offsets(%dma_start3A_255 : memref<128xi32, #tpu.memory_space<vmem>>) semaphore(%arg13 : memref<!tpu.dma_semaphore, #tpu.memory_space<semaphore_mem>>)
    }
    %scan3A_159 = arith.constant 40 : i32
    %dma_wait3A_160 = arith.constant 0 : i32
    %dma_wait3A_161 = arith.constant 0 : i32
    %dma_wait3A_162 = tpu.memref_slice %arg6[%dma_wait3A_160, %dma_wait3A_161] : memref<80x128xi32, #tpu.memory_space<vmem>> -> memref<1x128xi32, #tpu.memory_space<vmem>>
    %dma_wait3A_163 = tpu.memref_squeeze %dma_wait3A_162 : memref<1x128xi32, #tpu.memory_space<vmem>> -> memref<128xi32, #tpu.memory_space<vmem>>
    %dma_wait3A_164 = arith.constant 0 : i32
    %dma_wait3A_165 = arith.constant 0 : i32
    %dma_wait3A_166 = tpu.memref_slice %arg11[%dma_wait3A_164, %dma_wait3A_165] : memref<10240x64xf32, #tpu.memory_space<vmem_shared>> -> memref<10240x64xf32, #tpu.memory_space<vmem_shared>>
    tpu.wait_indirect_dma semaphore(%arg12 : memref<!tpu.dma_semaphore, #tpu.memory_space<semaphore_mem>>) src(%dma_wait3A_166 : memref<10240x64xf32, #tpu.memory_space<vmem_shared>>) dst(%arg8 : memref<128x64xf32, #tpu.memory_space<vmem>>)
    %dma_wait3A_167 = arith.constant 0 : i32
    %dma_wait3A_168 = arith.constant 0 : i32
    %dma_wait3A_169 = tpu.memref_slice %arg6[%dma_wait3A_167, %dma_wait3A_168] : memref<80x128xi32, #tpu.memory_space<vmem>> -> memref<1x128xi32, #tpu.memory_space<vmem>>
    %dma_wait3A_170 = tpu.memref_squeeze %dma_wait3A_169 : memref<1x128xi32, #tpu.memory_space<vmem>> -> memref<128xi32, #tpu.memory_space<vmem>>
    %dma_wait3A_171 = arith.constant 0 : i32
    %dma_wait3A_172 = arith.constant 0 : i32
    %dma_wait3A_173 = tpu.memref_slice %arg11[%dma_wait3A_171, %dma_wait3A_172] : memref<10240x64xf32, #tpu.memory_space<vmem_shared>> -> memref<10240x64xf32, #tpu.memory_space<vmem_shared>>
    tpu.wait_indirect_dma semaphore(%arg13 : memref<!tpu.dma_semaphore, #tpu.memory_space<semaphore_mem>>) src(%dma_wait3A_173 : memref<10240x64xf32, #tpu.memory_space<vmem_shared>>) dst(%arg9 : memref<128x64xf32, #tpu.memory_space<vmem>>)
    %barrier3A_174 = arith.constant 0 : index
    tpu.barrier barrier_id(%barrier3A_174)
    %mul3A_175 = arith.constant 640 : i32
    %mul3A_176 = arith.muli %arg1, %mul3A_175 : i32
    %mul3A_177 = arith.constant 640 : i32
    %mul3A_178 = arith.muli %arg1, %mul3A_177 : i32
    "tpu.region"() ({
      %run_scoped3A = tpu.sem_alloc : memref<!tpu.dma_semaphore, #tpu.memory_space<semaphore_mem>>
      %dma_start3A_179 = arith.constant 0 : i32
      %dma_start3A_180 = tpu.memref_slice %arg5[%arg0, %mul3A_178, %dma_start3A_179] : memref<2x10240x64xf32, #tpu.memory_space<hbm>> -> memref<1x640x64xf32, #tpu.memory_space<hbm>>
      %dma_start3A_181 = tpu.memref_squeeze %dma_start3A_180 : memref<1x640x64xf32, #tpu.memory_space<hbm>> -> memref<640x64xf32, #tpu.memory_space<hbm>>
      %dma_start3A_182 = arith.constant 0 : i32
      %dma_start3A_183 = tpu.memref_slice %arg10[%mul3A_176, %dma_start3A_182] : memref<10240x64xf32, #tpu.memory_space<vmem_shared>> -> memref<640x64xf32, #tpu.memory_space<vmem_shared>>
      tpu.enqueue_dma source(%dma_start3A_183 : memref<640x64xf32, #tpu.memory_space<vmem_shared>>) target(%dma_start3A_181 : memref<640x64xf32, #tpu.memory_space<hbm>>) target_semaphore(%run_scoped3A : memref<!tpu.dma_semaphore, #tpu.memory_space<semaphore_mem>>)
      %dma_wait3A_184 = arith.constant 0 : i32
      %dma_wait3A_185 = tpu.memref_slice %arg5[%arg0, %mul3A_178, %dma_wait3A_184] : memref<2x10240x64xf32, #tpu.memory_space<hbm>> -> memref<1x640x64xf32, #tpu.memory_space<hbm>>
      %dma_wait3A_186 = tpu.memref_squeeze %dma_wait3A_185 : memref<1x640x64xf32, #tpu.memory_space<hbm>> -> memref<640x64xf32, #tpu.memory_space<hbm>>
      %dma_wait3A_187 = arith.constant 0 : i32
      %dma_wait3A_188 = tpu.memref_slice %arg10[%mul3A_176, %dma_wait3A_187] : memref<10240x64xf32, #tpu.memory_space<vmem_shared>> -> memref<640x64xf32, #tpu.memory_space<vmem_shared>>
      tpu.wait_dma2 semaphore(%run_scoped3A : memref<!tpu.dma_semaphore, #tpu.memory_space<semaphore_mem>>) src(%dma_wait3A_188 : memref<640x64xf32, #tpu.memory_space<vmem_shared>>) dst(%dma_wait3A_186 : memref<640x64xf32, #tpu.memory_space<hbm>>)
      tpu.yield
    }) : () -> ()
    return
  }
}

module attributes {stable_mosaic.version = 14 : i64} {
  func.func @_tca_body(%arg0: i32, %arg1: memref<2x2048x16xf32, #tpu.memory_space<vmem>>, %arg2: memref<2048x128xf32, #tpu.memory_space<vmem>>, %arg3: memref<128x64xf32, #tpu.memory_space<vmem>>, %arg4: memref<2048x64xf32, #tpu.memory_space<vmem>>, %arg5: memref<2048x1xf32, #tpu.memory_space<vmem>>) attributes {dimension_semantics = [#tpu.dimension_semantics<arbitrary>], iteration_bounds = array<i64: 5>, scalar_prefetch = 0 : i64, scratch_operands = 0 : i64, tpu.core_type = #tpu.core_type<tc>, window_params = [{transform_indices = @transform_0, window_bounds = array<i64: 2, 2048, 16>}, {transform_indices = @transform_1, window_bounds = array<i64: 2048, 128>}, {pipeline_mode = #tpu.pipeline_mode<synchronous>, transform_indices = @transform_2, window_bounds = array<i64: 128, 64>}, {transform_indices = @transform_3, window_bounds = array<i64: 2048, 64>}, {transform_indices = @transform_4, window_bounds = array<i64: 2048, 1>}]} {
    %get3A = arith.constant 0 : index
    %get3A_0 = arith.constant 0 : index
    %get3A_1 = arith.constant 0 : index
    %get3A_2 = vector.load %arg1[%get3A, %get3A_0, %get3A_1] : memref<2x2048x16xf32, #tpu.memory_space<vmem>>, vector<1x2048x16xf32>
    %get3A_3 = vector.shape_cast %get3A_2 : vector<1x2048x16xf32> to vector<2048x16xf32>
    %get3A_4 = arith.constant 1 : index
    %get3A_5 = arith.constant 0 : index
    %get3A_6 = arith.constant 0 : index
    %get3A_7 = vector.load %arg1[%get3A_4, %get3A_5, %get3A_6] : memref<2x2048x16xf32, #tpu.memory_space<vmem>>, vector<1x2048x16xf32>
    %get3A_8 = vector.shape_cast %get3A_7 : vector<1x2048x16xf32> to vector<2048x16xf32>
    %add3A = arith.addf %get3A_3, %get3A_8 : vector<2048x16xf32>
    %add3A_9 = arith.constant 1.000000e+00 : f32
    %add3A_10 = vector.broadcast %add3A_9 : f32 to vector<2048x16xf32>
    %add3A_11 = arith.addf %add3A, %add3A_10 : vector<2048x16xf32>
    %rsqrt3A = math.rsqrt %add3A_11 : vector<2048x16xf32>
    %slice3A = vector.extract_strided_slice %rsqrt3A {offsets = [0, 0], sizes = [2048, 1], strides = [1, 1]} : vector<2048x16xf32> to vector<2048x1xf32>
    %get3A_12 = arith.constant 0 : index
    %get3A_13 = arith.constant 0 : index
    %get3A_14 = vector.load %arg2[%get3A_12, %get3A_13] : memref<2048x128xf32, #tpu.memory_space<vmem>>, vector<2048x128xf32>
    %get3A_15 = arith.constant 0 : index
    %get3A_16 = arith.constant 0 : index
    %get3A_17 = vector.load %arg3[%get3A_15, %get3A_16] : memref<128x64xf32, #tpu.memory_space<vmem>>, vector<128x64xf32>
    %dot_general3A = arith.constant dense<0.000000e+00> : vector<2048x64xf32>
    %dot_general3A_18 = tpu.matmul %get3A_14, %get3A_17, %dot_general3A {dimension_numbers = #tpu.dot_dimension_numbers<[1], [0], [0], [1], [0, 0, 1, 1], [], []>, transpose_lhs_hint = false} : vector<2048x128xf32>, vector<128x64xf32>, vector<2048x64xf32> -> vector<2048x64xf32>
    %mul3A = vector.broadcast %slice3A : vector<2048x1xf32> to vector<2048x64xf32>
    %mul3A_19 = arith.mulf %mul3A, %dot_general3A_18 : vector<2048x64xf32>
    %swap3A = arith.constant 0 : index
    %swap3A_20 = arith.constant 0 : index
    %swap3A_21 = vector.load %arg4[%swap3A, %swap3A_20] : memref<2048x64xf32, #tpu.memory_space<vmem>>, vector<2048x64xf32>
    tpu.vector_store %arg4[%swap3A, %swap3A_20], %mul3A_19 {strides = array<i32>} : memref<2048x64xf32, #tpu.memory_space<vmem>>, vector<2048x64xf32>,
    %swap3A_22 = arith.constant 0 : index
    %swap3A_23 = arith.constant 0 : index
    %swap3A_24 = vector.load %arg5[%swap3A_22, %swap3A_23] : memref<2048x1xf32, #tpu.memory_space<vmem>>, vector<2048x1xf32>
    tpu.vector_store %arg5[%swap3A_22, %swap3A_23], %slice3A {strides = array<i32>} : memref<2048x1xf32, #tpu.memory_space<vmem>>, vector<2048x1xf32>,
    return
  }
  func.func @transform_0(%arg0: i32) -> (i32, i32, i32) {
    %c0_i32 = arith.constant 0 : i32
    %c0_i32_0 = arith.constant 0 : i32
    %c0_i32_1 = arith.constant 0 : i32
    return %c0_i32, %arg0, %c0_i32_0 : i32, i32, i32
  }
  func.func @transform_1(%arg0: i32) -> (i32, i32) {
    %c0_i32 = arith.constant 0 : i32
    %c0_i32_0 = arith.constant 0 : i32
    return %arg0, %c0_i32 : i32, i32
  }
  func.func @transform_2(%arg0: i32) -> (i32, i32) {
    %c0_i32 = arith.constant 0 : i32
    %c0_i32_0 = arith.constant 0 : i32
    %c0_i32_1 = arith.constant 0 : i32
    return %c0_i32, %c0_i32_0 : i32, i32
  }
  func.func @transform_3(%arg0: i32) -> (i32, i32) {
    %c0_i32 = arith.constant 0 : i32
    %c0_i32_0 = arith.constant 0 : i32
    return %arg0, %c0_i32 : i32, i32
  }
  func.func @transform_4(%arg0: i32) -> (i32, i32) {
    %c0_i32 = arith.constant 0 : i32
    %c0_i32_0 = arith.constant 0 : i32
    return %arg0, %c0_i32 : i32, i32
  }
}

module attributes {stable_mosaic.version = 14 : i64} {
  func.func @_tcb_body(%arg0: i32, %arg1: memref<2x2048x64xf32, #tpu.memory_space<vmem>>, %arg2: memref<2048x64xf32, #tpu.memory_space<vmem>>, %arg3: memref<2048x1xf32, #tpu.memory_space<vmem>>, %arg4: memref<1x64xf32, #tpu.memory_space<vmem>>, %arg5: memref<64x64xf32, #tpu.memory_space<vmem>>, %arg6: memref<2048x64xf32, #tpu.memory_space<vmem>>) attributes {dimension_semantics = [#tpu.dimension_semantics<arbitrary>], iteration_bounds = array<i64: 5>, scalar_prefetch = 0 : i64, scratch_operands = 0 : i64, tpu.core_type = #tpu.core_type<tc>, window_params = [{transform_indices = @transform_0, window_bounds = array<i64: 2, 2048, 64>}, {transform_indices = @transform_1, window_bounds = array<i64: 2048, 64>}, {transform_indices = @transform_2, window_bounds = array<i64: 2048, 1>}, {pipeline_mode = #tpu.pipeline_mode<synchronous>, transform_indices = @transform_3, window_bounds = array<i64: 1, 64>}, {pipeline_mode = #tpu.pipeline_mode<synchronous>, transform_indices = @transform_4, window_bounds = array<i64: 64, 64>}, {transform_indices = @transform_5, window_bounds = array<i64: 2048, 64>}]} {
    %get3A = arith.constant 0 : index
    %get3A_0 = arith.constant 0 : index
    %get3A_1 = arith.constant 0 : index
    %get3A_2 = vector.load %arg1[%get3A, %get3A_0, %get3A_1] : memref<2x2048x64xf32, #tpu.memory_space<vmem>>, vector<1x2048x64xf32>
    %get3A_3 = vector.shape_cast %get3A_2 : vector<1x2048x64xf32> to vector<2048x64xf32>
    %get3A_4 = arith.constant 1 : index
    %get3A_5 = arith.constant 0 : index
    %get3A_6 = arith.constant 0 : index
    %get3A_7 = vector.load %arg1[%get3A_4, %get3A_5, %get3A_6] : memref<2x2048x64xf32, #tpu.memory_space<vmem>>, vector<1x2048x64xf32>
    %get3A_8 = vector.shape_cast %get3A_7 : vector<1x2048x64xf32> to vector<2048x64xf32>
    %add3A = arith.addf %get3A_3, %get3A_8 : vector<2048x64xf32>
    %get3A_9 = arith.constant 0 : index
    %get3A_10 = arith.constant 0 : index
    %get3A_11 = vector.load %arg2[%get3A_9, %get3A_10] : memref<2048x64xf32, #tpu.memory_space<vmem>>, vector<2048x64xf32>
    %add3A_12 = arith.addf %add3A, %get3A_11 : vector<2048x64xf32>
    %get3A_13 = arith.constant 0 : index
    %get3A_14 = arith.constant 0 : index
    %get3A_15 = vector.load %arg3[%get3A_13, %get3A_14] : memref<2048x1xf32, #tpu.memory_space<vmem>>, vector<2048x1xf32>
    %mul3A = vector.broadcast %get3A_15 : vector<2048x1xf32> to vector<2048x64xf32>
    %mul3A_16 = arith.mulf %mul3A, %add3A_12 : vector<2048x64xf32>
    %get3A_17 = arith.constant 0 : index
    %get3A_18 = arith.constant 0 : index
    %get3A_19 = vector.load %arg4[%get3A_17, %get3A_18] : memref<1x64xf32, #tpu.memory_space<vmem>>, vector<1x64xf32>
    %add3A_20 = vector.broadcast %get3A_19 : vector<1x64xf32> to vector<2048x64xf32>
    %add3A_21 = arith.addf %mul3A_16, %add3A_20 : vector<2048x64xf32>
    %max3A = arith.constant 0.000000e+00 : f32
    %max3A_22 = vector.broadcast %max3A : f32 to vector<2048x64xf32>
    %max3A_23 = arith.maximumf %add3A_21, %max3A_22 : vector<2048x64xf32>
    %get3A_24 = arith.constant 0 : index
    %get3A_25 = arith.constant 0 : index
    %get3A_26 = vector.load %arg5[%get3A_24, %get3A_25] : memref<64x64xf32, #tpu.memory_space<vmem>>, vector<64x64xf32>
    %dot_general3A = arith.constant dense<0.000000e+00> : vector<2048x64xf32>
    %dot_general3A_27 = tpu.matmul %max3A_23, %get3A_26, %dot_general3A {dimension_numbers = #tpu.dot_dimension_numbers<[1], [0], [0], [1], [0, 0, 1, 1], [], []>, transpose_lhs_hint = false} : vector<2048x64xf32>, vector<64x64xf32>, vector<2048x64xf32> -> vector<2048x64xf32>
    %mul3A_28 = vector.broadcast %get3A_15 : vector<2048x1xf32> to vector<2048x64xf32>
    %mul3A_29 = arith.mulf %mul3A_28, %dot_general3A_27 : vector<2048x64xf32>
    %swap3A = arith.constant 0 : index
    %swap3A_30 = arith.constant 0 : index
    %swap3A_31 = vector.load %arg6[%swap3A, %swap3A_30] : memref<2048x64xf32, #tpu.memory_space<vmem>>, vector<2048x64xf32>
    tpu.vector_store %arg6[%swap3A, %swap3A_30], %mul3A_29 {strides = array<i32>} : memref<2048x64xf32, #tpu.memory_space<vmem>>, vector<2048x64xf32>,
    return
  }
  func.func @transform_0(%arg0: i32) -> (i32, i32, i32) {
    %c0_i32 = arith.constant 0 : i32
    %c0_i32_0 = arith.constant 0 : i32
    %c0_i32_1 = arith.constant 0 : i32
    return %c0_i32, %arg0, %c0_i32_0 : i32, i32, i32
  }
  func.func @transform_1(%arg0: i32) -> (i32, i32) {
    %c0_i32 = arith.constant 0 : i32
    %c0_i32_0 = arith.constant 0 : i32
    return %arg0, %c0_i32 : i32, i32
  }
  func.func @transform_2(%arg0: i32) -> (i32, i32) {
    %c0_i32 = arith.constant 0 : i32
    %c0_i32_0 = arith.constant 0 : i32
    return %arg0, %c0_i32 : i32, i32
  }
  func.func @transform_3(%arg0: i32) -> (i32, i32) {
    %c0_i32 = arith.constant 0 : i32
    %c0_i32_0 = arith.constant 0 : i32
    %c0_i32_1 = arith.constant 0 : i32
    return %c0_i32, %c0_i32_0 : i32, i32
  }
  func.func @transform_4(%arg0: i32) -> (i32, i32) {
    %c0_i32 = arith.constant 0 : i32
    %c0_i32_0 = arith.constant 0 : i32
    %c0_i32_1 = arith.constant 0 : i32
    return %c0_i32, %c0_i32_0 : i32, i32
  }
  func.func @transform_5(%arg0: i32) -> (i32, i32) {
    %c0_i32 = arith.constant 0 : i32
    %c0_i32_0 = arith.constant 0 : i32
    return %arg0, %c0_i32 : i32, i32
  }
}

module attributes {stable_mosaic.version = 14 : i64} {
  func.func @_tcc_body(%arg0: i32, %arg1: memref<2x2048x64xf32, #tpu.memory_space<vmem>>, %arg2: memref<2048x64xf32, #tpu.memory_space<vmem>>, %arg3: memref<2048x1xf32, #tpu.memory_space<vmem>>, %arg4: memref<1x64xf32, #tpu.memory_space<vmem>>, %arg5: memref<2048x1xi32, #tpu.memory_space<vmem>>, %arg6: memref<64x128xf32, #tpu.memory_space<vmem>>, %arg7: memref<1x128xf32, #tpu.memory_space<vmem>>, %arg8: memref<128x128xf32, #tpu.memory_space<vmem>>, %arg9: memref<128x64xf32, #tpu.memory_space<vmem>>, %arg10: memref<128x128xf32, #tpu.memory_space<vmem>>) attributes {dimension_semantics = [#tpu.dimension_semantics<arbitrary>], iteration_bounds = array<i64: 5>, scalar_prefetch = 0 : i64, scratch_operands = 2 : i64, tpu.core_type = #tpu.core_type<tc>, window_params = [{transform_indices = @transform_0, window_bounds = array<i64: 2, 2048, 64>}, {transform_indices = @transform_1, window_bounds = array<i64: 2048, 64>}, {transform_indices = @transform_2, window_bounds = array<i64: 2048, 1>}, {pipeline_mode = #tpu.pipeline_mode<synchronous>, transform_indices = @transform_3, window_bounds = array<i64: 1, 64>}, {transform_indices = @transform_4, window_bounds = array<i64: 2048, 1>}, {pipeline_mode = #tpu.pipeline_mode<synchronous>, transform_indices = @transform_5, window_bounds = array<i64: 64, 128>}, {pipeline_mode = #tpu.pipeline_mode<synchronous>, transform_indices = @transform_6, window_bounds = array<i64: 1, 128>}, {pipeline_mode = #tpu.pipeline_mode<synchronous>, transform_indices = @transform_7, window_bounds = array<i64: 128, 128>}]} {
    %eq3A = arith.constant 0 : i32
    %eq3A_0 = arith.cmpi eq, %arg0, %eq3A : i32
    %convert_element_type3A = arith.extui %eq3A_0 : i1 to i32
    %cond3A = arith.constant 0 : i32
    %cond3A_1 = arith.cmpi ne, %convert_element_type3A, %cond3A : i32
    scf.if %cond3A_1 {
      %broadcast_in_dim3A_55 = arith.constant 0.000000e+00 : f32
      %broadcast_in_dim3A_56 = vector.broadcast %broadcast_in_dim3A_55 : f32 to vector<128x64xf32>
      %swap3A_57 = arith.constant 0 : index
      %swap3A_58 = arith.constant 0 : index
      %swap3A_59 = vector.load %arg9[%swap3A_57, %swap3A_58] : memref<128x64xf32, #tpu.memory_space<vmem>>, vector<128x64xf32>
      tpu.vector_store %arg9[%swap3A_57, %swap3A_58], %broadcast_in_dim3A_56 {strides = array<i32>} : memref<128x64xf32, #tpu.memory_space<vmem>>, vector<128x64xf32>,
      %broadcast_in_dim3A_60 = arith.constant 0.000000e+00 : f32
      %broadcast_in_dim3A_61 = vector.broadcast %broadcast_in_dim3A_60 : f32 to vector<128x128xf32>
      %swap3A_62 = arith.constant 0 : index
      %swap3A_63 = arith.constant 0 : index
      %swap3A_64 = vector.load %arg10[%swap3A_62, %swap3A_63] : memref<128x128xf32, #tpu.memory_space<vmem>>, vector<128x128xf32>
      tpu.vector_store %arg10[%swap3A_62, %swap3A_63], %broadcast_in_dim3A_61 {strides = array<i32>} : memref<128x128xf32, #tpu.memory_space<vmem>>, vector<128x128xf32>,
    } else {
    }
    %get3A = arith.constant 0 : index
    %get3A_2 = arith.constant 0 : index
    %get3A_3 = arith.constant 0 : index
    %get3A_4 = vector.load %arg1[%get3A, %get3A_2, %get3A_3] : memref<2x2048x64xf32, #tpu.memory_space<vmem>>, vector<1x2048x64xf32>
    %get3A_5 = vector.shape_cast %get3A_4 : vector<1x2048x64xf32> to vector<2048x64xf32>
    %get3A_6 = arith.constant 1 : index
    %get3A_7 = arith.constant 0 : index
    %get3A_8 = arith.constant 0 : index
    %get3A_9 = vector.load %arg1[%get3A_6, %get3A_7, %get3A_8] : memref<2x2048x64xf32, #tpu.memory_space<vmem>>, vector<1x2048x64xf32>
    %get3A_10 = vector.shape_cast %get3A_9 : vector<1x2048x64xf32> to vector<2048x64xf32>
    %add3A = arith.addf %get3A_5, %get3A_10 : vector<2048x64xf32>
    %get3A_11 = arith.constant 0 : index
    %get3A_12 = arith.constant 0 : index
    %get3A_13 = vector.load %arg2[%get3A_11, %get3A_12] : memref<2048x64xf32, #tpu.memory_space<vmem>>, vector<2048x64xf32>
    %add3A_14 = arith.addf %add3A, %get3A_13 : vector<2048x64xf32>
    %get3A_15 = arith.constant 0 : index
    %get3A_16 = arith.constant 0 : index
    %get3A_17 = vector.load %arg3[%get3A_15, %get3A_16] : memref<2048x1xf32, #tpu.memory_space<vmem>>, vector<2048x1xf32>
    %mul3A = vector.broadcast %get3A_17 : vector<2048x1xf32> to vector<2048x64xf32>
    %mul3A_18 = arith.mulf %mul3A, %add3A_14 : vector<2048x64xf32>
    %get3A_19 = arith.constant 0 : index
    %get3A_20 = arith.constant 0 : index
    %get3A_21 = vector.load %arg4[%get3A_19, %get3A_20] : memref<1x64xf32, #tpu.memory_space<vmem>>, vector<1x64xf32>
    %add3A_22 = vector.broadcast %get3A_21 : vector<1x64xf32> to vector<2048x64xf32>
    %add3A_23 = arith.addf %mul3A_18, %add3A_22 : vector<2048x64xf32>
    %max3A = arith.constant 0.000000e+00 : f32
    %max3A_24 = vector.broadcast %max3A : f32 to vector<2048x64xf32>
    %max3A_25 = arith.maximumf %add3A_23, %max3A_24 : vector<2048x64xf32>
    %iota3A = tpu.iota {dimensions = array<i32: 1>} : vector<2048x128xi32>
    %get3A_26 = arith.constant 0 : index
    %get3A_27 = arith.constant 0 : index
    %get3A_28 = vector.load %arg5[%get3A_26, %get3A_27] : memref<2048x1xi32, #tpu.memory_space<vmem>>, vector<2048x1xi32>
    %eq3A_29 = vector.broadcast %get3A_28 : vector<2048x1xi32> to vector<2048x128xi32>
    %eq3A_30 = arith.cmpi eq, %eq3A_29, %iota3A : vector<2048x128xi32>
    %convert_element_type3A_31 = arith.extui %eq3A_30 : vector<2048x128xi1> to vector<2048x128xi32>
    %convert_element_type3A_32 = arith.sitofp %convert_element_type3A_31 : vector<2048x128xi32> to vector<2048x128xf32>
    %get3A_33 = arith.constant 0 : index
    %get3A_34 = arith.constant 0 : index
    %get3A_35 = vector.load %arg9[%get3A_33, %get3A_34] : memref<128x64xf32, #tpu.memory_space<vmem>>, vector<128x64xf32>
    %dot_general3A = arith.constant dense<0.000000e+00> : vector<128x64xf32>
    %dot_general3A_36 = tpu.matmul %convert_element_type3A_32, %max3A_25, %dot_general3A {dimension_numbers = #tpu.dot_dimension_numbers<[0], [0], [1], [1], [0, 1, 1, 1], [], []>, transpose_lhs_hint = false} : vector<2048x128xf32>, vector<2048x64xf32>, vector<128x64xf32> -> vector<128x64xf32>
    %add3A_37 = arith.addf %get3A_35, %dot_general3A_36 : vector<128x64xf32>
    %swap3A = arith.constant 0 : index
    %swap3A_38 = arith.constant 0 : index
    %swap3A_39 = vector.load %arg9[%swap3A, %swap3A_38] : memref<128x64xf32, #tpu.memory_space<vmem>>, vector<128x64xf32>
    tpu.vector_store %arg9[%swap3A, %swap3A_38], %add3A_37 {strides = array<i32>} : memref<128x64xf32, #tpu.memory_space<vmem>>, vector<128x64xf32>,
    %broadcast_in_dim3A = arith.constant 1.000000e+00 : f32
    %broadcast_in_dim3A_40 = vector.broadcast %broadcast_in_dim3A : f32 to vector<2048x128xf32>
    %get3A_41 = arith.constant 0 : index
    %get3A_42 = arith.constant 0 : index
    %get3A_43 = vector.load %arg10[%get3A_41, %get3A_42] : memref<128x128xf32, #tpu.memory_space<vmem>>, vector<128x128xf32>
    %dot_general3A_44 = arith.constant dense<0.000000e+00> : vector<128x128xf32>
    %dot_general3A_45 = tpu.matmul %convert_element_type3A_32, %broadcast_in_dim3A_40, %dot_general3A_44 {dimension_numbers = #tpu.dot_dimension_numbers<[0], [0], [1], [1], [0, 1, 1, 1], [], []>, transpose_lhs_hint = false} : vector<2048x128xf32>, vector<2048x128xf32>, vector<128x128xf32> -> vector<128x128xf32>
    %add3A_46 = arith.addf %get3A_43, %dot_general3A_45 : vector<128x128xf32>
    %swap3A_47 = arith.constant 0 : index
    %swap3A_48 = arith.constant 0 : index
    %swap3A_49 = vector.load %arg10[%swap3A_47, %swap3A_48] : memref<128x128xf32, #tpu.memory_space<vmem>>, vector<128x128xf32>
    tpu.vector_store %arg10[%swap3A_47, %swap3A_48], %add3A_46 {strides = array<i32>} : memref<128x128xf32, #tpu.memory_space<vmem>>, vector<128x128xf32>,
    %eq3A_50 = arith.constant 4 : i32
    %eq3A_51 = arith.cmpi eq, %arg0, %eq3A_50 : i32
    %convert_element_type3A_52 = arith.extui %eq3A_51 : i1 to i32
    %cond3A_53 = arith.constant 0 : i32
    %cond3A_54 = arith.cmpi ne, %convert_element_type3A_52, %cond3A_53 : i32
    scf.if %cond3A_54 {
      %get3A_55 = arith.constant 0 : index
      %get3A_56 = arith.constant 0 : index
      %get3A_57 = vector.load %arg10[%get3A_55, %get3A_56] : memref<128x128xf32, #tpu.memory_space<vmem>>, vector<128x1xf32>
      %get3A_58 = arith.constant 0 : index
      %get3A_59 = arith.constant 0 : index
      %get3A_60 = vector.load %arg9[%get3A_58, %get3A_59] : memref<128x64xf32, #tpu.memory_space<vmem>>, vector<128x64xf32>
      %max3A_61 = arith.constant 1.000000e+00 : f32
      %max3A_62 = vector.broadcast %max3A_61 : f32 to vector<128x1xf32>
      %max3A_63 = arith.maximumf %get3A_57, %max3A_62 : vector<128x1xf32>
      %div3A = vector.broadcast %max3A_63 : vector<128x1xf32> to vector<128x64xf32>
      %div3A_64 = arith.divf %get3A_60, %div3A : vector<128x64xf32>
      %get3A_65 = arith.constant 0 : index
      %get3A_66 = arith.constant 0 : index
      %get3A_67 = vector.load %arg6[%get3A_65, %get3A_66] : memref<64x128xf32, #tpu.memory_space<vmem>>, vector<64x128xf32>
      %dot_general3A_68 = arith.constant dense<0.000000e+00> : vector<128x128xf32>
      %dot_general3A_69 = tpu.matmul %div3A_64, %get3A_67, %dot_general3A_68 {dimension_numbers = #tpu.dot_dimension_numbers<[1], [0], [0], [1], [0, 0, 1, 1], [], []>, transpose_lhs_hint = false} : vector<128x64xf32>, vector<64x128xf32>, vector<128x128xf32> -> vector<128x128xf32>
      %get3A_70 = arith.constant 0 : index
      %get3A_71 = arith.constant 0 : index
      %get3A_72 = vector.load %arg7[%get3A_70, %get3A_71] : memref<1x128xf32, #tpu.memory_space<vmem>>, vector<1x128xf32>
      %add3A_73 = vector.broadcast %get3A_72 : vector<1x128xf32> to vector<128x128xf32>
      %add3A_74 = arith.addf %dot_general3A_69, %add3A_73 : vector<128x128xf32>
      %swap3A_75 = arith.constant 0 : index
      %swap3A_76 = arith.constant 0 : index
      %swap3A_77 = vector.load %arg8[%swap3A_75, %swap3A_76] : memref<128x128xf32, #tpu.memory_space<vmem>>, vector<128x128xf32>
      tpu.vector_store %arg8[%swap3A_75, %swap3A_76], %add3A_74 {strides = array<i32>} : memref<128x128xf32, #tpu.memory_space<vmem>>, vector<128x128xf32>,
    } else {
    }
    return
  }
  func.func @transform_0(%arg0: i32) -> (i32, i32, i32) {
    %c0_i32 = arith.constant 0 : i32
    %c0_i32_0 = arith.constant 0 : i32
    %c0_i32_1 = arith.constant 0 : i32
    return %c0_i32, %arg0, %c0_i32_0 : i32, i32, i32
  }
  func.func @transform_1(%arg0: i32) -> (i32, i32) {
    %c0_i32 = arith.constant 0 : i32
    %c0_i32_0 = arith.constant 0 : i32
    return %arg0, %c0_i32 : i32, i32
  }
  func.func @transform_2(%arg0: i32) -> (i32, i32) {
    %c0_i32 = arith.constant 0 : i32
    %c0_i32_0 = arith.constant 0 : i32
    return %arg0, %c0_i32 : i32, i32
  }
  func.func @transform_3(%arg0: i32) -> (i32, i32) {
    %c0_i32 = arith.constant 0 : i32
    %c0_i32_0 = arith.constant 0 : i32
    %c0_i32_1 = arith.constant 0 : i32
    return %c0_i32, %c0_i32_0 : i32, i32
  }
  func.func @transform_4(%arg0: i32) -> (i32, i32) {
    %c0_i32 = arith.constant 0 : i32
    %c0_i32_0 = arith.constant 0 : i32
    return %arg0, %c0_i32 : i32, i32
  }
  func.func @transform_5(%arg0: i32) -> (i32, i32) {
    %c0_i32 = arith.constant 0 : i32
    %c0_i32_0 = arith.constant 0 : i32
    %c0_i32_1 = arith.constant 0 : i32
    return %c0_i32, %c0_i32_0 : i32, i32
  }
  func.func @transform_6(%arg0: i32) -> (i32, i32) {
    %c0_i32 = arith.constant 0 : i32
    %c0_i32_0 = arith.constant 0 : i32
    %c0_i32_1 = arith.constant 0 : i32
    return %c0_i32, %c0_i32_0 : i32, i32
  }
  func.func @transform_7(%arg0: i32) -> (i32, i32) {
    %c0_i32 = arith.constant 0 : i32
    %c0_i32_0 = arith.constant 0 : i32
    %c0_i32_1 = arith.constant 0 : i32
    return %c0_i32, %c0_i32_0 : i32, i32
  }
}

</mosaic_0001>

<sc_bundles>
// kernel: kernel.11.cloned.1.call-start
scs
__scs_entry_jumppad:
0x0: {  	(pc) =	sbr.rel $0x88, $3  }
0x1: {  	(tag) =	ssettag $0x0;
	lr =	simm.s32 $0x1  }
0x2: {  	[smem:$0x3F98] =	sst lr;
	_ =	strace $0xD0000000  }
0x3: {  	_ = 	snop  }
0x4: {  	_ = 	snop  }
0x5: {  	_ = 	snop  }
0x6: {  	_ = 	snop  }
0x7: {  	_ = 	snop  }
__scs_overlays_trampoline_lowered:
0x8: {  	[smem:$0x3FA7] =	sst s0  }
0x9: {  	[smem:$0x3FA8] =	sst s1  }
0xa: {  	[smem:$0x3FA9] =	sst s2  }
0xb: {  	[smem:$0x3FAA] =	sst s3  }
0xc: {  	[smem:$0x3FAB] =	sst s4  }
0xd: {  	[smem:$0x3FAC] =	sst s5  }
0xe: {  	[smem:$0x3FAD] =	sst s6  }
0xf: {  	[smem:$0x3FAE] =	sst s7  }
0x10: {  	[smem:$0x3FAF] =	sst s8  }
0x11: {  	[smem:$0x3FB0] =	sst s9;
	s0 =	simm.s32 @!p0 $0x0  }
0x12: {  	s1 =	sld [smem:$0x3F96];
	s0 =	simm.s32 @p0 $0x1  }
0x13: {  	[smem:$0x3FB1] =	sst s0;
	s0 =	simm.s32 @!p1 $0x0  }
0x14: {  	s2 =	sld [smem:$0x3F95];
	s0 =	simm.s32 @p1 $0x1  }
0x15: {  	[smem:$0x3FB2] =	sst s0;
	s0 =	simm.s32 @!p2 $0x0  }
0x16: {  	s3 =	sld [smem:$0x3FDB];
	s0 =	simm.s32 @p2 $0x1  }
0x17: {  	s4 =	simm.s32 $0x1BF5;
	[smem:$0x3FB4] =	sst s0  }
0x18: {  	s0 =	sld [smem:$0x3F97];
	_ =	swait.ge [sflag:s4], $0x0  }
0x19: {  	s7 =	sld [smem:$0x3F98]  }
0x1a: {  	s8 =	sadd.s32 $0xFFFFE003, lr  }
0x1b: {  	s9 =	sadd.s32 $0xFFFFFEF7, lr;
	s5 =	simm.s32 $0xFFFFFFFF;
	p2 =	slt.u32 s8, $0xFFFFF086  }
0x1c: {  	p1 =	slt.u32 s9, $0xF7A;
	s5 =	simm.s32 @!p2 $0x0  }
0x1d: {  	s5 =	simm.s32 @p1 $0x1;
	p0 =	seq.s32 s7, s2  }
0x1e: {  	s7 =	smul.u32 @!p0 $0xF7A, s2;
	p2 =	seq.s32 @!p0 s5, $0x0  }
0x1f: {  	s9 =	smul.u32 $0xF7A, s1;
	s8 =	simm.s32 @!p0 $0x1BF5;
	p2 =	por !p2, p0  }
0x20: {  	[sflag:s8] =	ssyncset.s32 @!p0 $0xFFFFF086;
	s6 =	sadd.s32 @!p0 s3, s7;
	s7 =	simm.s32 @!p0 $0x108  }
0x21: {  	s3 =	sadd.s32 s3, s9;
	s6 =	sadd.s32 @!p0 $0x88, s6;
	s7 =	simm.s32 @p2 $0x1082  }
0x22: {  	[simem:s7], [sflag:s8] =	dma.local @!p0 [hbm:s6], $0xF7A  }
0x23: {  	s9 =	sor.u32 $0xD0000000, s2;
	s6 =	simm.s32 $0x108;
	_ =	swait.ge @!p0 [sflag:s8], $0x0  }
0x24: {  	s3 =	sadd.s32 $0x88, s3;
	s6 =	simm.s32 @!p1 $0x1082;
	[sflag:s4] =	ssyncset.s32 $0xFFFFF086  }
0x25: {  	[simem:s6], [sflag:s4] =	dma.local [hbm:s3], $0xF7A  }
0x26: {  	[smem:$0x3F98] =	sst s1;
	(tag) =	ssettag s2;
	_ =	strace s9  }
0x27: {  	s1 =	sld [smem:$0x3FA8]  }
0x28: {  	s2 =	sld [smem:$0x3FA9]  }
0x29: {  	s4 =	sld [smem:$0x3FAB]  }
0x2a: {  	p0 =	seq.s32 s5, $0x0;
	s5 =	sld [smem:$0x3FAC]  }
0x2b: {  	s6 =	sld [smem:$0x3FAD]  }
0x2c: {  	s7 =	sld [smem:$0x3FAE]  }
0x2d: {  	s3 =	simm.s32 $0x108;
	s8 =	sld [smem:$0x3FAF]  }
0x2e: {  	s3 =	simm.s32 @!p0 $0x1082;
	s9 =	sld [smem:$0x3FB0]  }
0x2f: {  	lr =	sadd.s32 s0, s3;
	s0 =	sld [smem:$0x3FA7]  }
0x30: {  	s3 =	sld [smem:$0x3FAA]  }
0x31: {  	[smem:$0x3FB3] =	sst s10  }
0x32: {  	s10 =	sld [smem:$0x3FB1];
	_ =	sdelay $0x3  }
0x33: {  	p0 =	seq.s32 s10, $0x1;
	s10 =	sld [smem:$0x3FB3];
	_ =	sdelay $0x3  }
0x34: {  	[smem:$0x3FB3] =	sst s10  }
0x35: {  	s10 =	sld [smem:$0x3FB2];
	_ =	sdelay $0x3  }
0x36: {  	p1 =	seq.s32 s10, $0x1;
	s10 =	sld [smem:$0x3FB3];
	_ =	sdelay $0x3  }
0x37: {  	[smem:$0x3FB3] =	sst s10  }
0x38: {  	s10 =	sld [smem:$0x3FB4]  }
0x39: {  	_ = 	snop;
	(pc) =	sbr.ind lr, $3  }
0x3a: {  	_ = 	snop  }
0x3b: {  	_ = 	snop  }
0x3c: {  	p2 =	seq.s32 s10, $0x1;
	s10 =	sld [smem:$0x3FB3]  }
0x3d: {  	_ =	shalt  }
0x3e: {  	_ =	shalt  }
0x3f: {  	_ =	shalt  }
0x40: {  	_ =	shalt  }
0x41: {  	_ =	shalt  }
0x42: {  	_ =	shalt  }
0x43: {  	_ =	shalt  }
0x44: {  	_ =	shalt  }
0x45: {  	_ =	shalt  }
0x46: {  	_ =	shalt  }
0x47: {  	_ =	shalt  }
0x48: {  	_ =	shalt  }
0x49: {  	_ =	shalt  }
0x4a: {  	_ =	shalt  }
0x4b: {  	_ =	shalt  }
0x4c: {  	_ =	shalt  }
0x4d: {  	_ =	shalt  }
0x4e: {  	_ =	shalt  }
0x4f: {  	_ =	shalt  }
0x50: {  	_ =	shalt  }
0x51: {  	_ =	shalt  }
0x52: {  	_ =	shalt  }
0x53: {  	_ =	shalt  }
0x54: {  	_ =	shalt  }
0x55: {  	_ =	shalt  }
0x56: {  	_ =	shalt  }
0x57: {  	_ =	shalt  }
0x58: {  	_ =	shalt  }
0x59: {  	_ =	shalt  }
0x5a: {  	_ =	shalt  }
0x5b: {  	_ =	shalt  }
0x5c: {  	_ =	shalt  }
0x5d: {  	_ =	shalt  }
0x5e: {  	_ =	shalt  }
0x5f: {  	_ =	shalt  }
0x60: {  	_ =	shalt  }
0x61: {  	_ =	shalt  }
0x62: {  	_ =	shalt  }
0x63: {  	_ =	shalt  }
0x64: {  	_ =	shalt  }
0x65: {  	_ =	shalt  }
0x66: {  	_ =	shalt  }
0x67: {  	_ =	shalt  }
0x68: {  	_ =	shalt  }
0x69: {  	_ =	shalt  }
0x6a: {  	_ =	shalt  }
0x6b: {  	_ =	shalt  }
0x6c: {  	_ =	shalt  }
0x6d: {  	_ =	shalt  }
0x6e: {  	_ =	shalt  }
0x6f: {  	_ =	shalt  }
0x70: {  	_ =	shalt  }
0x71: {  	_ =	shalt  }
0x72: {  	_ =	shalt  }
0x73: {  	_ =	shalt  }
0x74: {  	_ =	shalt  }
0x75: {  	_ =	shalt  }
0x76: {  	_ =	shalt  }
0x77: {  	_ =	shalt  }
0x78: {  	_ =	shalt  }
0x79: {  	_ =	shalt  }
0x7a: {  	_ =	shalt  }
0x7b: {  	_ =	shalt  }
0x7c: {  	_ =	shalt  }
0x7d: {  	_ =	shalt  }
0x7e: {  	_ =	shalt  }
0x7f: {  	_ =	shalt  }
0x80: {  	_ =	shalt  }
0x81: {  	_ =	shalt  }
0x82: {  	_ =	shalt  }
0x83: {  	_ =	shalt  }
0x84: {  	_ =	shalt  }
0x85: {  	_ =	shalt  }
0x86: {  	_ =	shalt  }
0x87: {  	_ =	shalt  }
.Lfunc_end0:
.L_simem_size_0:
called_computation.1_lowered:
.L_overlay_start_0:
0x88: {  	s2 =	sld [smem:$0x3FD9]  }
0x89: {  	s3 =	sld [smem:$0x3FFE];
	_ =	sdelay $0x1  }
0x8a: {  	s1 =	srdreg.scid  }
0x8b: {  	s0 =	sand.u32 $0x1, s1  }
0x8c: {  	s16 =	sshll.u32 s0, $0xA;
	s2 =	sadd.s32 s3, s2  }
0x8d: {  	s2 =	sadd.s32 s2, s16  }
0x8e: {  	[smem:$0x3FBF] =	sst s2  }
0x8f: {  	_ = 	snop  }
0x90: {  	(tm) =	ssettm $0x1  }
0x91: {  	s17 =	sld [smem:$0x3FFB];
	_ =	sdelay $0x3  }
0x92: {  	_ =	strace s17  }
0x93: {  	s2 =	sld [smem:$0x3FFC];
	_ =	sdelay $0x3  }
0x94: {  	_ =	strace s2  }
0x95: {  	s2 =	sld [smem:$0x3FFD];
	_ =	sdelay $0x3  }
0x96: {  	_ =	strace s2  }
0x97: {  	_ =	strace $0x8FFFFFFF  }
0x98: {  	s18 =	sld [smem:$0x3FDB];
	_ =	sdelay $0x1  }
0x99: {  	s19 =	simm.s32 $_scs_section_size  }
0x9a: {  	s4 =	simm.s32 $_size__tile_overlayer_lowered;
	s5 =	simm.s32 $_tile_overlayer_lowered  }
0x9b: {  	s22 =	simm.s32 $0x1BFF;
	s21 =	sshll.u32 s5, $0x1;
	s2 =	sadd.s32 s19, s18  }
0x9c: {  	s6 =	simm.s32 $0x0;
	s20 =	sshll.u32 s4, $0x1;
	s4 =	sadd.s32 s21, s2  }
0x9d: {  	[timem:s6], [sflag:s22] =	dma.local [hbm:s4], s20  }
0x9e: {  	_ =	swait.ge [sflag:s22], s20  }
0x9f: {  	s3 =	ssub.s32 $0x0, s20;
	[sflag:s22] =	ssyncset.done $0x0  }
0xa0: {  	[sflag:s22] =	ssyncadd.s32 s3;
	_ =	sdelay $0x1  }
0xa1: {  	s23 =	simm.s32 $0x1B8B  }
0xa2: {  	_ =	swait.ge [sflag:s23], $0x1  }
0xa3: {  	[sflag:s23] =	ssyncset.done $0x0  }
0xa4: {  	s25 =	simm.s32 $0x1B8E;
	s24 =	sld [smem:$0x3FFE];
	[sflag:s23] =	ssyncadd.s32 $0xFFFFFFFF  }
0xa5: {  	s26 =	simm.s32 $execute0_lowered;
	[smem:$0x3FD2] =	sst s25  }
0xa6: {  	s4 =	sshll.u32 s26, $0x1;
	_ =	strace $0x80000049;
	[dreg:$0x1] =	wrdreg $0xFFFFFFFF  }
0xa7: {  	s28 =	simm.s32 $_size_execute0_lowered;
	s2 =	sadd.s32 s2, s4;
	[dreg:$0x0] =	wrdreg $0x0  }
0xa8: {  	s4 =	sshll.u32 s28, $0x1;
	[dreg:$0x2] =	wrdreg s2  }
0xa9: {  	[dreg:$0x3] =	wrdreg s4  }
0xaa: {  	[dreg:$0x4] =	wrdreg $0xC0  }
0xab: {  	_ =	task [dreg:s6], $0x5FFFF  }
0xac: {  	[dreg:$0x1] =	wrdreg $0xFFFFFFFF  }
0xad: {  	[dreg:$0x0] =	wrdreg $0x60  }
0xae: {  	[dreg:$0x2] =	wrdreg s24  }
0xaf: {  	[dreg:$0x3] =	wrdreg $0x130000  }
0xb0: {  	[dreg:$0x4] =	wrdreg $0x90000  }
0xb1: {  	[dreg:$0x5] =	wrdreg $0x9  }
0xb2: {  	_ =	task.clear_ibuf [dreg:s6], $0x6FFFF;
	_ =	strace $0x90000049  }
0xb3: {  	s29 =	simm.s32 $0x9;
	_ =	strace $0x8000004B  }
0xb4: {  	_ =	swait.ge [sflag:s29], $0x1  }
0xb5: {  	[sflag:s29] =	ssyncadd.s32 $0xFFFFFFFF  }
0xb6: {  	_ =	strace $0x9000004B  }
0xb7: {  	_ =	sfence  }
0xb8: {  	s30 =	sld [smem:$0x0];
	_ =	sdelay $0x2  }
0xb9: {  	s31 =	sshll.u32 s1, $0xD;
	s1 =	sshrl.u32 s1, $0x2  }
0xba: {  	s3 =	sand.u32 $0x4000, s31;
	s1 =	sadd.s32 s1, s30  }
0xbb: {  	s0 =	sor.u32 s3, s0;
	s1 =	sshll.u32 s1, $0x11  }
0xbc: {  	s0 =	sor.u32 s1, s0  }
0xbd: {  	s0 =	sadd.s32 $0x8F2B, s0  }
0xbe: {  	[sflag:s0] =	ssyncadd.remote.s32 $0x1  }
0xbf: {  	_ =	sfence.sel $0xFFFF  }
0xc0: {  	[dreg:$0x0] =	wrdreg $0xFFFFFFFF;
	(pc) =	sbr.abs _section_cstart, $3  }
0xc1: {  	[dreg:$0x1] =	wrdreg $0xFFFFFFFF  }
0xc2: {  	_ =	task.clear_ibuf [dreg:s6], $0x2FFFF;
	_ =	strace $0x9FFFFFFF  }
0xc3: {  	(tm) =	ssettm $0x7FFFFFFF  }
tec
execute0_lowered:
.L_overlay_start_1:
0x0: {  	(tag) =	ssettag $0x1  }
0x1: {  	s1 =	rddreg [dreg:$0x0];
	s0 =	stileid.u32  }
0x2: {  	s3 =	srdreg.scid;
	s2 =	rddreg [dreg:$0x1];
	s4 =	simm.s32 $0x0  }
0x3: {  	s18 =	simm.s32 $0x5000;
	s19 =	simm.s32 $0x3;
	s20 =	simm.s32 $0x1  }
0x4: {  	s21 =	simm.s32 $0x5;
	s22 =	simm.s32 $0x2800;
	s8 =	smul.u32 $0xA000, s0  }
0x5: {  	s23 =	simm.s32 $0x80;
	s28 =	simm.s32 $0x4F00;
	s7 =	smul.u32 $0x2800, s0  }
0x6: {  	s29 =	simm.s32 $0x4F80;
	s5 =	sand.u32 $0x1, s3;
	s10 =	smul.u32 $0x28000, s0  }
0x7: {  	s30 =	simm.s32 $0x0;
	s3 =	rddreg [dreg:$0x2];
	s6 =	smul.u32 $0x28000, s5  }
0x8: {  	[smem:$0x7FF] =	sst s4;
	s24 =	smul.u32 $0xA0000, s5;
	s5 =	ssub.s32 $0x2, s5  }
0x9: {  	_ =	strace $0x8000004A;
	s9 =	sshrl.u32 s8, $0x3;
	s26 =	sshrl.u32 s5, $0x1  }
0xa: {  	s17 =	sadd.s32 s8, s2;
	s31 =	sshrl.u32 s10, $0x2;
	s6 =	sadd.s32 s7, s6  }
0xb: {  	s9 =	sadd.s32 s9, s1;
	s25 =	sadd.s32 s8, s24;
	s16 =	ssub.s32 s5, s26  }
0xc: {  	s8 =	sadd.s32 s8, s3;
	s12 =	sadd.s32 s31, s3;
	s17 =	sshrl.u32 s17, $0x3  }
0xd: {  	s24 =	simm.s32 $0x7000;
	s26 =	simm.s32 $0x4;
	s6 =	sshrl.u32 s6, $0x3  }
0xe: {  	s5 =	sadd.s32 $0x1FC00, s9;
	s9 =	sadd.s32 $0x2000, s12;
	s10 =	sadd.s32 $0x4000, s12  }
0xf: {  	s11 =	sadd.s32 $0x6000, s12;
	s12 =	sadd.s32 $0x8000, s12;
	s16 =	smax.u32 s16, $0x1  }
0x10: {  	s14 =	sadd.s32 s6, s1;
	s6 =	sshrl.u32 s25, $0x3;
	s25 =	simm.s32 $0x2  }
0x11: {  	s1 =	sadd.s32 s6, s1;
	s6 =	sshll.u32 s0, $0x6;
	s13 =	sadd.s32 $0x15C00, s14  }
0x12: {  	v0 =	vimm.f32 $0.0e+00;
	s14 =	sadd.s32 $0x1C00, s14;
	s7 =	sor.u32 $0x1C01, s6;
	s15 =	sadd.s32 $0x33C00, s1  }
.LBB2_1:
0x13: {  	[spmem:s17], [sflag:s7] =	dma.local [hbm:s5], $0x1400  }
0x14: {  	s1 =	simm.s32 $0x100;
	s31 =	simm.s32 $0x0  }
.LBB2_2:
0x15: {  	p0 =	sne.s32 s1, $0x7F00;
	[tilespmem:s31+$0x5030] =	vst v0;
	s0 =	smov.u32 s1;
	s1 =	sadd.s32 $0x100, s1  }
.Ltmp0:
0x16: {  	[tilespmem:s31+$0x5020] =	vst v0;
	(pc) =	sbr.rel @p0 .LBB2_2-.Ltmp0, $3  }
0x17: {  	[tilespmem:s31+$0x5000] =	vst v0  }
0x18: {  	[tilespmem:s31+$0x5010] =	vst v0;
	_ =	sdelay $0x1  }
0x19: {  	s31 =	sshra.s32 s0, $0x2  }
0x1a: {  	[tilespmem:s31+$0x5030] =	vst v0  }
0x1b: {  	[tilespmem:s31+$0x5020] =	vst v0  }
0x1c: {  	[tilespmem:s31+$0x5000] =	vst v0  }
0x1d: {  	[tilespmem:s31+$0x5010] =	vst v0  }
0x1e: {  	[spmem:s8] =	stream.linear.scatter [tilespmem:s18], [sflag:$0x3], $0x2000, $0x38;
	[tilespmem:$0x1D000] =	vst v63  }
0x1f: {  	_ = 	snop  }
0x20: {  	[spmem:s9] =	stream.linear.scatter [tilespmem:s18], [sflag:$0x3], $0x2000, $0x38;
	[tilespmem:$0x1D000] =	vst v63  }
0x21: {  	_ = 	snop  }
0x22: {  	[spmem:s10] =	stream.linear.scatter [tilespmem:s18], [sflag:$0x3], $0x2000, $0x38;
	[tilespmem:$0x1D000] =	vst v63  }
0x23: {  	_ = 	snop  }
0x24: {  	[spmem:s11] =	stream.linear.scatter [tilespmem:s18], [sflag:$0x3], $0x2000, $0x38;
	[tilespmem:$0x1D000] =	vst v63  }
0x25: {  	_ = 	snop  }
0x26: {  	[spmem:s12] =	stream.linear.scatter [tilespmem:s18], [sflag:$0x3], $0x2000, $0x38;
	[tilespmem:$0x1D000] =	vst v63  }
0x27: {  	_ =	swait.ge [sflag:s19], $0x2000  }
0x28: {  	[sflag:s19] =	ssyncset.done $0x0  }
0x29: {  	[sflag:s19] =	ssyncadd.s32 $0xFFFFE000  }
0x2a: {  	_ =	swait.ge [sflag:s19], $0x2000  }
0x2b: {  	[sflag:s19] =	ssyncset.done $0x0  }
0x2c: {  	[sflag:s19] =	ssyncadd.s32 $0xFFFFE000  }
0x2d: {  	_ =	swait.ge [sflag:s19], $0x2000  }
0x2e: {  	[sflag:s19] =	ssyncset.done $0x0  }
0x2f: {  	[sflag:s19] =	ssyncadd.s32 $0xFFFFE000  }
0x30: {  	_ =	swait.ge [sflag:s19], $0x2000  }
0x31: {  	[sflag:s19] =	ssyncset.done $0x0  }
0x32: {  	[sflag:s19] =	ssyncadd.s32 $0xFFFFE000  }
0x33: {  	_ =	swait.ge [sflag:s19], $0x2000  }
0x34: {  	[sflag:s19] =	ssyncset.done $0x0  }
0x35: {  	[sflag:s19] =	ssyncadd.s32 $0xFFFFE000  }
0x36: {  	_ =	swait.ge [sflag:s20], $0x1400  }
0x37: {  	[sflag:s20] =	ssyncset.done $0x0  }
0x38: {  	[sflag:s20] =	ssyncadd.s32 $0xFFFFEC00  }
0x39: {  	s0 =	simm.s32 $0x0;
	[bflag:$0x0] =	sbarrier.arrive $0xFFFF  }
0x3a: {  	[tilespmem:s0], [sflag:$0x5] =	stream.linear.gather [hbm4b:s13+s0], $0x2800, $0x38;
	[tilespmem:$0x1D000] =	vst v63  }
0x3b: {  	_ =	swait.ge [sflag:s21], $0x2800  }
0x3c: {  	[sflag:s21] =	ssyncset.done $0x0  }
0x3d: {  	[sflag:s21] =	ssyncadd.s32 $0xFFFFD800  }
0x3e: {  	[tilespmem:s22], [sflag:$0x5] =	stream.linear.gather [hbm4b:s14+s0], $0x2800, $0x38;
	[tilespmem:$0x1D000] =	vst v63  }
0x3f: {  	_ =	swait.ge [sflag:s21], $0x2800  }
0x40: {  	[sflag:s21] =	ssyncset.done $0x0  }
0x41: {  	[sflag:s21] =	ssyncadd.s32 $0xFFFFD800  }
0x42: {  	[tilespmem:s18], [sflag:$0x1] =	stream.indirect.gather [spmem:s2], $0x40, s0, s23, $0xb8;
	[tilespmem:$0x1D000] =	vst v63  }
0x43: {  	_ = 	snop  }
0x44: {  	[tilespmem:s24], [sflag:$0x2] =	stream.indirect.gather [spmem:s2], $0x40, s23, s23, $0xb8;
	[tilespmem:$0x1D000] =	vst v63  }
0x45: {  	_ =	swait.ge [sflag:s20], $0x2000  }
0x46: {  	[sflag:s20] =	ssyncset.done $0x0  }
0x47: {  	s1 =	simm.s32 $0x2800;
	[sflag:s20] =	ssyncadd.s32 $0xFFFFE000  }
0x48: {  	[spmem:s3] =	stream.indirect.scatter.add.f32 [tilespmem:s18], [sflag:$0x3], $0x40, s1, s23, $0xb8;
	[tilespmem:$0x1D000] =	vst v63  }
0x49: {  	_ =	swait.ge [sflag:s25], $0x2000  }
0x4a: {  	[sflag:s25] =	ssyncset.done $0x0  }
0x4b: {  	s1 =	simm.s32 $0x2880;
	[sflag:s25] =	ssyncadd.s32 $0xFFFFE000  }
0x4c: {  	[spmem:s3] =	stream.indirect.scatter.add.f32 [tilespmem:s24], [sflag:$0x4], $0x40, s1, s23, $0xb8;
	[tilespmem:$0x1D000] =	vst v63  }
0x4d: {  	_ =	swait.ge [sflag:s19], $0x2000  }
0x4e: {  	[sflag:s19] =	ssyncset.done $0x0  }
0x4f: {  	s1 =	simm.s32 $0x100;
	[sflag:s19] =	ssyncadd.s32 $0xFFFFE000  }
0x50: {  	[tilespmem:s18], [sflag:$0x1] =	stream.indirect.gather [spmem:s2], $0x40, s1, s23, $0xb8;
	[tilespmem:$0x1D000] =	vst v63  }
0x51: {  	_ =	swait.ge [sflag:s26], $0x2000  }
0x52: {  	[sflag:s26] =	ssyncset.done $0x0  }
0x53: {  	s31 =	simm.s32 $0x400;
	s1 =	simm.s32 $0x180;
	[sflag:s26] =	ssyncadd.s32 $0xFFFFE000  }
.LBB2_4:
0x54: {  	[tilespmem:s24], [sflag:$0x2] =	stream.indirect.gather [spmem:s2], $0x40, s1, s23, $0xb8;
	[tilespmem:$0x1D000] =	vst v63  }
0x55: {  	s0 =	smov.u32 s31  }
0x56: {  	p0 =	sne.s32 s31, $0x9800;
	s31 =	sadd.s32 $0x400, s31;
	_ =	swait.ge [sflag:s20], $0x2000  }
0x57: {  	s0 =	sshra.s32 s0, $0x2;
	[sflag:s20] =	ssyncset.done $0x0  }
0x58: {  	s1 =	sadd.s32 $0x2800, s0;
	[sflag:s20] =	ssyncadd.s32 $0xFFFFE000  }
0x59: {  	[spmem:s3] =	stream.indirect.scatter.add.f32 [tilespmem:s18], [sflag:$0x3], $0x40, s1, s23, $0xb8;
	[tilespmem:$0x1D000] =	vst v63  }
0x5a: {  	_ =	swait.ge [sflag:s25], $0x2000  }
0x5b: {  	[sflag:s25] =	ssyncset.done $0x0  }
0x5c: {  	s1 =	sadd.s32 $0x2880, s0;
	[sflag:s25] =	ssyncadd.s32 $0xFFFFE000  }
0x5d: {  	[spmem:s3] =	stream.indirect.scatter.add.f32 [tilespmem:s24], [sflag:$0x4], $0x40, s1, s23, $0xb8;
	[tilespmem:$0x1D000] =	vst v63  }
0x5e: {  	_ =	swait.ge [sflag:s19], $0x2000  }
0x5f: {  	[sflag:s19] =	ssyncset.done $0x0  }
.Ltmp1:
0x60: {  	s1 =	sadd.s32 $0x100, s0;
	[sflag:s19] =	ssyncadd.s32 $0xFFFFE000;
	(pc) =	sbr.rel @p0 .LBB2_4-.Ltmp1, $4  }
0x61: {  	[tilespmem:s18], [sflag:$0x1] =	stream.indirect.gather [spmem:s2], $0x40, s1, s23, $0xb8;
	[tilespmem:$0x1D000] =	vst v63  }
0x62: {  	_ =	swait.ge [sflag:s26], $0x2000  }
0x63: {  	[sflag:s26] =	ssyncset.done $0x0  }
0x64: {  	s1 =	sadd.s32 $0x180, s0;
	[sflag:s26] =	ssyncadd.s32 $0xFFFFE000  }
0x65: {  	[tilespmem:s24], [sflag:$0x2] =	stream.indirect.gather [spmem:s2], $0x40, s1, s23, $0xb8;
	[tilespmem:$0x1D000] =	vst v63  }
0x66: {  	_ =	swait.ge [sflag:s20], $0x2000  }
0x67: {  	[sflag:s20] =	ssyncset.done $0x0  }
0x68: {  	[sflag:s20] =	ssyncadd.s32 $0xFFFFE000  }
0x69: {  	[spmem:s3] =	stream.indirect.scatter.add.f32 [tilespmem:s18], [sflag:$0x3], $0x40, s28, s23, $0xb8;
	[tilespmem:$0x1D000] =	vst v63  }
0x6a: {  	_ =	swait.ge [sflag:s25], $0x2000  }
0x6b: {  	[sflag:s25] =	ssyncset.done $0x0  }
0x6c: {  	[sflag:s25] =	ssyncadd.s32 $0xFFFFE000  }
0x6d: {  	[spmem:s3] =	stream.indirect.scatter.add.f32 [tilespmem:s24], [sflag:$0x4], $0x40, s29, s23, $0xb8;
	[tilespmem:$0x1D000] =	vst v63  }
0x6e: {  	_ =	swait.ge [sflag:s19], $0x2000  }
0x6f: {  	[sflag:s19] =	ssyncset.done $0x0  }
0x70: {  	[sflag:s19] =	ssyncadd.s32 $0xFFFFE000  }
0x71: {  	[tilespmem:s18], [sflag:$0x1] =	stream.indirect.gather [spmem:s2], $0x40, s4, s23, $0xb8;
	[tilespmem:$0x1D000] =	vst v63  }
0x72: {  	_ =	swait.ge [sflag:s26], $0x2000  }
0x73: {  	[sflag:s26] =	ssyncset.done $0x0  }
0x74: {  	[sflag:s26] =	ssyncadd.s32 $0xFFFFE000  }
0x75: {  	[tilespmem:s24], [sflag:$0x2] =	stream.indirect.gather [spmem:s2], $0x40, s23, s23, $0xb8;
	[tilespmem:$0x1D000] =	vst v63  }
0x76: {  	_ =	swait.ge [sflag:s20], $0x2000  }
0x77: {  	[sflag:s20] =	ssyncset.done $0x0  }
0x78: {  	[sflag:s20] =	ssyncadd.s32 $0xFFFFE000  }
0x79: {  	_ =	swait.ge [sflag:s25], $0x2000  }
0x7a: {  	s30 =	sadd.s32 $0x1, s30;
	[sflag:s25] =	ssyncset.done $0x0  }
0x7b: {  	s0 =	sor.u32 $0x1C05, s6;
	p0 =	sne.s32 s30, s16;
	[sflag:s25] =	ssyncadd.s32 $0xFFFFE000  }
.Ltmp2:
0x7c: {  	s31 =	sshrl.u32 s8, $0x3;
	[bflag:$0x0] =	sbarrier.arrive $0xFFFF;
	(pc) =	sbr.rel @p0 .LBB2_1-.Ltmp2, $4  }
0x7d: {  	[hbm:s15], [sflag:s0] =	dma.local [spmem:s31], $0x1400  }
0x7e: {  	_ =	swait.ge [sflag:s21], $0x1400  }
0x7f: {  	[sflag:s21] =	ssyncset.done $0x0  }
0x80: {  	[sflag:s21] =	ssyncadd.s32 $0xFFFFEC00  }
0x81: {  	_ =	sfence.sel $0x180000  }
0x82: {  	[bflag:$0x0] =	sbarrier.arrive $0xFFFF  }
0x83: {  	_ =	strace $0x9000004A  }
0x84: {  	s0 =	stileid.u32;
	[bflag:$0x2] =	sbarrier.arrive $0xFFFF  }
0x85: {  	p0 =	sne.s32 s0, $0x0;
	s0 =	rddreg [dreg:$0x3]  }
0x86: {  	s0 =	sadd.s32 @!p0 $0x100000, s0  }
0x87: {  	[sflag:s0] =	ssyncadd.tile.s32 @!p0 $0x1;
	_ =	shalt  }
.Lfunc_end2:
_tile_overlayer_lowered:
.L_overlay_start_2:
0x88: {  	(tag) =	ssettag $0x2  }
0x89: {  	s0 =	rddreg [dreg:$0x0];
	s2 =	stileid.u32  }
0x8a: {  	s1 =	rddreg [dreg:$0x1];
	p0 =	sne.s32 s2, $0x0  }
0x8b: {  	s3 =	rddreg [dreg:$0x2];
	[bflag:$0x3] =	sbarrier.arrive $0xFFFF;
	s2 =	simm.s32 @!p0 $0x1C05  }
0x8c: {  	[timem:s3], [sflag:s2] =	dma.local @!p0 [hbm:s0], s1  }
0x8d: {  	s0 =	simm.s32 @!p0 $0x5  }
0x8e: {  	_ =	swait.ge @!p0 [sflag:s0], s1  }
0x8f: {  	s1 =	ssub.s32 @!p0 $0x0, s1;
	[sflag:s0] =	ssyncset.done @!p0 $0x0  }
0x90: {  	[sflag:s0] =	ssyncadd.s32 @!p0 s1  }
0x91: {  	[bflag:$0x3] =	sbarrier.arrive $0xFFFF  }
0x92: {  	_ =	shalt  }

// kernel: kernel.14.cloned.1.call-start
scs
__scs_entry_jumppad:
0x0: {  	(pc) =	sbr.rel $0x88, $3  }
0x1: {  	(tag) =	ssettag $0x0;
	lr =	simm.s32 $0x1  }
0x2: {  	[smem:$0x3F98] =	sst lr;
	_ =	strace $0xD0000000  }
0x3: {  	_ = 	snop  }
0x4: {  	_ = 	snop  }
0x5: {  	_ = 	snop  }
0x6: {  	_ = 	snop  }
0x7: {  	_ = 	snop  }
__scs_overlays_trampoline_lowered:
0x8: {  	[smem:$0x3FA7] =	sst s0  }
0x9: {  	[smem:$0x3FA8] =	sst s1  }
0xa: {  	[smem:$0x3FA9] =	sst s2  }
0xb: {  	[smem:$0x3FAA] =	sst s3  }
0xc: {  	[smem:$0x3FAB] =	sst s4  }
0xd: {  	[smem:$0x3FAC] =	sst s5  }
0xe: {  	[smem:$0x3FAD] =	sst s6  }
0xf: {  	[smem:$0x3FAE] =	sst s7  }
0x10: {  	[smem:$0x3FAF] =	sst s8  }
0x11: {  	[smem:$0x3FB0] =	sst s9;
	s0 =	simm.s32 @!p0 $0x0  }
0x12: {  	s1 =	sld [smem:$0x3F96];
	s0 =	simm.s32 @p0 $0x1  }
0x13: {  	[smem:$0x3FB1] =	sst s0;
	s0 =	simm.s32 @!p1 $0x0  }
0x14: {  	s2 =	sld [smem:$0x3F95];
	s0 =	simm.s32 @p1 $0x1  }
0x15: {  	[smem:$0x3FB2] =	sst s0;
	s0 =	simm.s32 @!p2 $0x0  }
0x16: {  	s3 =	sld [smem:$0x3FDB];
	s0 =	simm.s32 @p2 $0x1  }
0x17: {  	s4 =	simm.s32 $0x1BF5;
	[smem:$0x3FB4] =	sst s0  }
0x18: {  	s0 =	sld [smem:$0x3F97];
	_ =	swait.ge [sflag:s4], $0x0  }
0x19: {  	s7 =	sld [smem:$0x3F98]  }
0x1a: {  	s8 =	sadd.s32 $0xFFFFE003, lr  }
0x1b: {  	s9 =	sadd.s32 $0xFFFFFEF7, lr;
	s5 =	simm.s32 $0xFFFFFFFF;
	p2 =	slt.u32 s8, $0xFFFFF086  }
0x1c: {  	p1 =	slt.u32 s9, $0xF7A;
	s5 =	simm.s32 @!p2 $0x0  }
0x1d: {  	s5 =	simm.s32 @p1 $0x1;
	p0 =	seq.s32 s7, s2  }
0x1e: {  	s7 =	smul.u32 @!p0 $0xF7A, s2;
	p2 =	seq.s32 @!p0 s5, $0x0  }
0x1f: {  	s9 =	smul.u32 $0xF7A, s1;
	s8 =	simm.s32 @!p0 $0x1BF5;
	p2 =	por !p2, p0  }
0x20: {  	[sflag:s8] =	ssyncset.s32 @!p0 $0xFFFFF086;
	s6 =	sadd.s32 @!p0 s3, s7;
	s7 =	simm.s32 @!p0 $0x108  }
0x21: {  	s3 =	sadd.s32 s3, s9;
	s6 =	sadd.s32 @!p0 $0x88, s6;
	s7 =	simm.s32 @p2 $0x1082  }
0x22: {  	[simem:s7], [sflag:s8] =	dma.local @!p0 [hbm:s6], $0xF7A  }
0x23: {  	s9 =	sor.u32 $0xD0000000, s2;
	s6 =	simm.s32 $0x108;
	_ =	swait.ge @!p0 [sflag:s8], $0x0  }
0x24: {  	s3 =	sadd.s32 $0x88, s3;
	s6 =	simm.s32 @!p1 $0x1082;
	[sflag:s4] =	ssyncset.s32 $0xFFFFF086  }
0x25: {  	[simem:s6], [sflag:s4] =	dma.local [hbm:s3], $0xF7A  }
0x26: {  	[smem:$0x3F98] =	sst s1;
	(tag) =	ssettag s2;
	_ =	strace s9  }
0x27: {  	s1 =	sld [smem:$0x3FA8]  }
0x28: {  	s2 =	sld [smem:$0x3FA9]  }
0x29: {  	s4 =	sld [smem:$0x3FAB]  }
0x2a: {  	p0 =	seq.s32 s5, $0x0;
	s5 =	sld [smem:$0x3FAC]  }
0x2b: {  	s6 =	sld [smem:$0x3FAD]  }
0x2c: {  	s7 =	sld [smem:$0x3FAE]  }
0x2d: {  	s3 =	simm.s32 $0x108;
	s8 =	sld [smem:$0x3FAF]  }
0x2e: {  	s3 =	simm.s32 @!p0 $0x1082;
	s9 =	sld [smem:$0x3FB0]  }
0x2f: {  	lr =	sadd.s32 s0, s3;
	s0 =	sld [smem:$0x3FA7]  }
0x30: {  	s3 =	sld [smem:$0x3FAA]  }
0x31: {  	[smem:$0x3FB3] =	sst s10  }
0x32: {  	s10 =	sld [smem:$0x3FB1];
	_ =	sdelay $0x3  }
0x33: {  	p0 =	seq.s32 s10, $0x1;
	s10 =	sld [smem:$0x3FB3];
	_ =	sdelay $0x3  }
0x34: {  	[smem:$0x3FB3] =	sst s10  }
0x35: {  	s10 =	sld [smem:$0x3FB2];
	_ =	sdelay $0x3  }
0x36: {  	p1 =	seq.s32 s10, $0x1;
	s10 =	sld [smem:$0x3FB3];
	_ =	sdelay $0x3  }
0x37: {  	[smem:$0x3FB3] =	sst s10  }
0x38: {  	s10 =	sld [smem:$0x3FB4]  }
0x39: {  	_ = 	snop;
	(pc) =	sbr.ind lr, $3  }
0x3a: {  	_ = 	snop  }
0x3b: {  	_ = 	snop  }
0x3c: {  	p2 =	seq.s32 s10, $0x1;
	s10 =	sld [smem:$0x3FB3]  }
0x3d: {  	_ =	shalt  }
0x3e: {  	_ =	shalt  }
0x3f: {  	_ =	shalt  }
0x40: {  	_ =	shalt  }
0x41: {  	_ =	shalt  }
0x42: {  	_ =	shalt  }
0x43: {  	_ =	shalt  }
0x44: {  	_ =	shalt  }
0x45: {  	_ =	shalt  }
0x46: {  	_ =	shalt  }
0x47: {  	_ =	shalt  }
0x48: {  	_ =	shalt  }
0x49: {  	_ =	shalt  }
0x4a: {  	_ =	shalt  }
0x4b: {  	_ =	shalt  }
0x4c: {  	_ =	shalt  }
0x4d: {  	_ =	shalt  }
0x4e: {  	_ =	shalt  }
0x4f: {  	_ =	shalt  }
0x50: {  	_ =	shalt  }
0x51: {  	_ =	shalt  }
0x52: {  	_ =	shalt  }
0x53: {  	_ =	shalt  }
0x54: {  	_ =	shalt  }
0x55: {  	_ =	shalt  }
0x56: {  	_ =	shalt  }
0x57: {  	_ =	shalt  }
0x58: {  	_ =	shalt  }
0x59: {  	_ =	shalt  }
0x5a: {  	_ =	shalt  }
0x5b: {  	_ =	shalt  }
0x5c: {  	_ =	shalt  }
0x5d: {  	_ =	shalt  }
0x5e: {  	_ =	shalt  }
0x5f: {  	_ =	shalt  }
0x60: {  	_ =	shalt  }
0x61: {  	_ =	shalt  }
0x62: {  	_ =	shalt  }
0x63: {  	_ =	shalt  }
0x64: {  	_ =	shalt  }
0x65: {  	_ =	shalt  }
0x66: {  	_ =	shalt  }
0x67: {  	_ =	shalt  }
0x68: {  	_ =	shalt  }
0x69: {  	_ =	shalt  }
0x6a: {  	_ =	shalt  }
0x6b: {  	_ =	shalt  }
0x6c: {  	_ =	shalt  }
0x6d: {  	_ =	shalt  }
0x6e: {  	_ =	shalt  }
0x6f: {  	_ =	shalt  }
0x70: {  	_ =	shalt  }
0x71: {  	_ =	shalt  }
0x72: {  	_ =	shalt  }
0x73: {  	_ =	shalt  }
0x74: {  	_ =	shalt  }
0x75: {  	_ =	shalt  }
0x76: {  	_ =	shalt  }
0x77: {  	_ =	shalt  }
0x78: {  	_ =	shalt  }
0x79: {  	_ =	shalt  }
0x7a: {  	_ =	shalt  }
0x7b: {  	_ =	shalt  }
0x7c: {  	_ =	shalt  }
0x7d: {  	_ =	shalt  }
0x7e: {  	_ =	shalt  }
0x7f: {  	_ =	shalt  }
0x80: {  	_ =	shalt  }
0x81: {  	_ =	shalt  }
0x82: {  	_ =	shalt  }
0x83: {  	_ =	shalt  }
0x84: {  	_ =	shalt  }
0x85: {  	_ =	shalt  }
0x86: {  	_ =	shalt  }
0x87: {  	_ =	shalt  }
.Lfunc_end0:
.L_simem_size_0:
called_computation.2_lowered:
.L_overlay_start_0:
0x88: {  	s2 =	sld [smem:$0x3FD9]  }
0x89: {  	s3 =	sld [smem:$0x3FFE];
	_ =	sdelay $0x1  }
0x8a: {  	s1 =	srdreg.scid  }
0x8b: {  	s0 =	sand.u32 $0x1, s1  }
0x8c: {  	s16 =	sshll.u32 s0, $0xA;
	s2 =	sadd.s32 s3, s2  }
0x8d: {  	s2 =	sadd.s32 s2, s16  }
0x8e: {  	[smem:$0x3FBF] =	sst s2  }
0x8f: {  	_ = 	snop  }
0x90: {  	(tm) =	ssettm $0x1  }
0x91: {  	s17 =	sld [smem:$0x3FFB];
	_ =	sdelay $0x3  }
0x92: {  	_ =	strace s17  }
0x93: {  	s2 =	sld [smem:$0x3FFC];
	_ =	sdelay $0x3  }
0x94: {  	_ =	strace s2  }
0x95: {  	s2 =	sld [smem:$0x3FFD];
	_ =	sdelay $0x3  }
0x96: {  	_ =	strace s2  }
0x97: {  	_ =	strace $0x8FFFFFFF  }
0x98: {  	s18 =	sld [smem:$0x3FDB];
	_ =	sdelay $0x1  }
0x99: {  	s19 =	simm.s32 $_scs_section_size  }
0x9a: {  	s4 =	simm.s32 $_size__tile_overlayer_lowered;
	s5 =	simm.s32 $_tile_overlayer_lowered  }
0x9b: {  	s22 =	simm.s32 $0x1BFF;
	s21 =	sshll.u32 s5, $0x1;
	s2 =	sadd.s32 s19, s18  }
0x9c: {  	s6 =	simm.s32 $0x0;
	s20 =	sshll.u32 s4, $0x1;
	s4 =	sadd.s32 s21, s2  }
0x9d: {  	[timem:s6], [sflag:s22] =	dma.local [hbm:s4], s20  }
0x9e: {  	_ =	swait.ge [sflag:s22], s20  }
0x9f: {  	s3 =	ssub.s32 $0x0, s20;
	[sflag:s22] =	ssyncset.done $0x0  }
0xa0: {  	[sflag:s22] =	ssyncadd.s32 s3;
	_ =	sdelay $0x1  }
0xa1: {  	s23 =	simm.s32 $0x1B8B  }
0xa2: {  	_ =	swait.ge [sflag:s23], $0x1  }
0xa3: {  	[sflag:s23] =	ssyncset.done $0x0  }
0xa4: {  	s25 =	simm.s32 $0x1B8E;
	s24 =	sld [smem:$0x3FFE];
	[sflag:s23] =	ssyncadd.s32 $0xFFFFFFFF  }
0xa5: {  	s26 =	simm.s32 $execute0_lowered;
	[smem:$0x3FD2] =	sst s25  }
0xa6: {  	s4 =	sshll.u32 s26, $0x1;
	_ =	strace $0x8000004C;
	[dreg:$0x1] =	wrdreg $0xFFFFFFFF  }
0xa7: {  	s28 =	simm.s32 $_size_execute0_lowered;
	s2 =	sadd.s32 s2, s4;
	[dreg:$0x0] =	wrdreg $0x0  }
0xa8: {  	s4 =	sshll.u32 s28, $0x1;
	[dreg:$0x2] =	wrdreg s2  }
0xa9: {  	[dreg:$0x3] =	wrdreg s4  }
0xaa: {  	[dreg:$0x4] =	wrdreg $0xC0  }
0xab: {  	_ =	task [dreg:s6], $0x5FFFF  }
0xac: {  	[dreg:$0x1] =	wrdreg $0xFFFFFFFF  }
0xad: {  	[dreg:$0x0] =	wrdreg $0x60  }
0xae: {  	[dreg:$0x2] =	wrdreg s24  }
0xaf: {  	[dreg:$0x3] =	wrdreg $0x130000  }
0xb0: {  	[dreg:$0x4] =	wrdreg $0x90000  }
0xb1: {  	[dreg:$0x5] =	wrdreg $0x9  }
0xb2: {  	_ =	task.clear_ibuf [dreg:s6], $0x6FFFF;
	_ =	strace $0x9000004C  }
0xb3: {  	s29 =	simm.s32 $0x9;
	_ =	strace $0x8000004E  }
0xb4: {  	_ =	swait.ge [sflag:s29], $0x1  }
0xb5: {  	[sflag:s29] =	ssyncadd.s32 $0xFFFFFFFF  }
0xb6: {  	_ =	strace $0x9000004E  }
0xb7: {  	_ =	sfence  }
0xb8: {  	s30 =	sld [smem:$0x0];
	_ =	sdelay $0x2  }
0xb9: {  	s31 =	sshll.u32 s1, $0xD;
	s1 =	sshrl.u32 s1, $0x2  }
0xba: {  	s3 =	sand.u32 $0x4000, s31;
	s1 =	sadd.s32 s1, s30  }
0xbb: {  	s0 =	sor.u32 s3, s0;
	s1 =	sshll.u32 s1, $0x11  }
0xbc: {  	s0 =	sor.u32 s1, s0  }
0xbd: {  	s0 =	sadd.s32 $0x8F2B, s0  }
0xbe: {  	[sflag:s0] =	ssyncadd.remote.s32 $0x1  }
0xbf: {  	_ =	sfence.sel $0xFFFF  }
0xc0: {  	[dreg:$0x0] =	wrdreg $0xFFFFFFFF;
	(pc) =	sbr.abs _section_cstart, $3  }
0xc1: {  	[dreg:$0x1] =	wrdreg $0xFFFFFFFF  }
0xc2: {  	_ =	task.clear_ibuf [dreg:s6], $0x2FFFF;
	_ =	strace $0x9FFFFFFF  }
0xc3: {  	(tm) =	ssettm $0x7FFFFFFF  }
tec
execute0_lowered:
.L_overlay_start_1:
0x0: {  	(tag) =	ssettag $0x1  }
0x1: {  	s1 =	rddreg [dreg:$0x0];
	s0 =	stileid.u32  }
0x2: {  	s3 =	srdreg.scid;
	s2 =	rddreg [dreg:$0x1];
	s4 =	simm.s32 $0x0  }
0x3: {  	s18 =	simm.s32 $0x5000;
	s19 =	simm.s32 $0x3;
	s20 =	simm.s32 $0x1  }
0x4: {  	s21 =	simm.s32 $0x5;
	s22 =	simm.s32 $0x2800;
	s8 =	smul.u32 $0xA000, s0  }
0x5: {  	s23 =	simm.s32 $0x80;
	s28 =	simm.s32 $0x4F00;
	s7 =	smul.u32 $0x2800, s0  }
0x6: {  	s29 =	simm.s32 $0x4F80;
	s5 =	sand.u32 $0x1, s3;
	s10 =	smul.u32 $0x28000, s0  }
0x7: {  	s30 =	simm.s32 $0x0;
	s3 =	rddreg [dreg:$0x2];
	s6 =	smul.u32 $0x28000, s5  }
0x8: {  	[smem:$0x7FF] =	sst s4;
	s24 =	smul.u32 $0xA0000, s5;
	s5 =	ssub.s32 $0x2, s5  }
0x9: {  	_ =	strace $0x8000004D;
	s9 =	sshrl.u32 s8, $0x3;
	s26 =	sshrl.u32 s5, $0x1  }
0xa: {  	s17 =	sadd.s32 s8, s2;
	s31 =	sshrl.u32 s10, $0x2;
	s6 =	sadd.s32 s7, s6  }
0xb: {  	s9 =	sadd.s32 s9, s1;
	s25 =	sadd.s32 s8, s24;
	s16 =	ssub.s32 s5, s26  }
0xc: {  	s8 =	sadd.s32 s8, s3;
	s12 =	sadd.s32 s31, s3;
	s17 =	sshrl.u32 s17, $0x3  }
0xd: {  	s24 =	simm.s32 $0x7000;
	s26 =	simm.s32 $0x4;
	s6 =	sshrl.u32 s6, $0x3  }
0xe: {  	s5 =	sadd.s32 $0x1FC00, s9;
	s9 =	sadd.s32 $0x2000, s12;
	s10 =	sadd.s32 $0x4000, s12  }
0xf: {  	s11 =	sadd.s32 $0x6000, s12;
	s12 =	sadd.s32 $0x8000, s12;
	s16 =	smax.u32 s16, $0x1  }
0x10: {  	s14 =	sadd.s32 s6, s1;
	s6 =	sshrl.u32 s25, $0x3;
	s25 =	simm.s32 $0x2  }
0x11: {  	s1 =	sadd.s32 s6, s1;
	s6 =	sshll.u32 s0, $0x6;
	s13 =	sadd.s32 $0x15C00, s14  }
0x12: {  	v0 =	vimm.f32 $0.0e+00;
	s14 =	sadd.s32 $0x1C00, s14;
	s7 =	sor.u32 $0x1C01, s6;
	s15 =	sadd.s32 $0x33C00, s1  }
.LBB2_1:
0x13: {  	[spmem:s17], [sflag:s7] =	dma.local [hbm:s5], $0x1400  }
0x14: {  	s1 =	simm.s32 $0x100;
	s31 =	simm.s32 $0x0  }
.LBB2_2:
0x15: {  	p0 =	sne.s32 s1, $0x7F00;
	[tilespmem:s31+$0x5030] =	vst v0;
	s0 =	smov.u32 s1;
	s1 =	sadd.s32 $0x100, s1  }
.Ltmp0:
0x16: {  	[tilespmem:s31+$0x5020] =	vst v0;
	(pc) =	sbr.rel @p0 .LBB2_2-.Ltmp0, $3  }
0x17: {  	[tilespmem:s31+$0x5000] =	vst v0  }
0x18: {  	[tilespmem:s31+$0x5010] =	vst v0;
	_ =	sdelay $0x1  }
0x19: {  	s31 =	sshra.s32 s0, $0x2  }
0x1a: {  	[tilespmem:s31+$0x5030] =	vst v0  }
0x1b: {  	[tilespmem:s31+$0x5020] =	vst v0  }
0x1c: {  	[tilespmem:s31+$0x5000] =	vst v0  }
0x1d: {  	[tilespmem:s31+$0x5010] =	vst v0  }
0x1e: {  	[spmem:s8] =	stream.linear.scatter [tilespmem:s18], [sflag:$0x3], $0x2000, $0x38;
	[tilespmem:$0x1D000] =	vst v63  }
0x1f: {  	_ = 	snop  }
0x20: {  	[spmem:s9] =	stream.linear.scatter [tilespmem:s18], [sflag:$0x3], $0x2000, $0x38;
	[tilespmem:$0x1D000] =	vst v63  }
0x21: {  	_ = 	snop  }
0x22: {  	[spmem:s10] =	stream.linear.scatter [tilespmem:s18], [sflag:$0x3], $0x2000, $0x38;
	[tilespmem:$0x1D000] =	vst v63  }
0x23: {  	_ = 	snop  }
0x24: {  	[spmem:s11] =	stream.linear.scatter [tilespmem:s18], [sflag:$0x3], $0x2000, $0x38;
	[tilespmem:$0x1D000] =	vst v63  }
0x25: {  	_ = 	snop  }
0x26: {  	[spmem:s12] =	stream.linear.scatter [tilespmem:s18], [sflag:$0x3], $0x2000, $0x38;
	[tilespmem:$0x1D000] =	vst v63  }
0x27: {  	_ =	swait.ge [sflag:s19], $0x2000  }
0x28: {  	[sflag:s19] =	ssyncset.done $0x0  }
0x29: {  	[sflag:s19] =	ssyncadd.s32 $0xFFFFE000  }
0x2a: {  	_ =	swait.ge [sflag:s19], $0x2000  }
0x2b: {  	[sflag:s19] =	ssyncset.done $0x0  }
0x2c: {  	[sflag:s19] =	ssyncadd.s32 $0xFFFFE000  }
0x2d: {  	_ =	swait.ge [sflag:s19], $0x2000  }
0x2e: {  	[sflag:s19] =	ssyncset.done $0x0  }
0x2f: {  	[sflag:s19] =	ssyncadd.s32 $0xFFFFE000  }
0x30: {  	_ =	swait.ge [sflag:s19], $0x2000  }
0x31: {  	[sflag:s19] =	ssyncset.done $0x0  }
0x32: {  	[sflag:s19] =	ssyncadd.s32 $0xFFFFE000  }
0x33: {  	_ =	swait.ge [sflag:s19], $0x2000  }
0x34: {  	[sflag:s19] =	ssyncset.done $0x0  }
0x35: {  	[sflag:s19] =	ssyncadd.s32 $0xFFFFE000  }
0x36: {  	_ =	swait.ge [sflag:s20], $0x1400  }
0x37: {  	[sflag:s20] =	ssyncset.done $0x0  }
0x38: {  	[sflag:s20] =	ssyncadd.s32 $0xFFFFEC00  }
0x39: {  	s0 =	simm.s32 $0x0;
	[bflag:$0x0] =	sbarrier.arrive $0xFFFF  }
0x3a: {  	[tilespmem:s0], [sflag:$0x5] =	stream.linear.gather [hbm4b:s13+s0], $0x2800, $0x38;
	[tilespmem:$0x1D000] =	vst v63  }
0x3b: {  	_ =	swait.ge [sflag:s21], $0x2800  }
0x3c: {  	[sflag:s21] =	ssyncset.done $0x0  }
0x3d: {  	[sflag:s21] =	ssyncadd.s32 $0xFFFFD800  }
0x3e: {  	[tilespmem:s22], [sflag:$0x5] =	stream.linear.gather [hbm4b:s14+s0], $0x2800, $0x38;
	[tilespmem:$0x1D000] =	vst v63  }
0x3f: {  	_ =	swait.ge [sflag:s21], $0x2800  }
0x40: {  	[sflag:s21] =	ssyncset.done $0x0  }
0x41: {  	[sflag:s21] =	ssyncadd.s32 $0xFFFFD800  }
0x42: {  	[tilespmem:s18], [sflag:$0x1] =	stream.indirect.gather [spmem:s2], $0x40, s0, s23, $0xb8;
	[tilespmem:$0x1D000] =	vst v63  }
0x43: {  	_ = 	snop  }
0x44: {  	[tilespmem:s24], [sflag:$0x2] =	stream.indirect.gather [spmem:s2], $0x40, s23, s23, $0xb8;
	[tilespmem:$0x1D000] =	vst v63  }
0x45: {  	_ =	swait.ge [sflag:s20], $0x2000  }
0x46: {  	[sflag:s20] =	ssyncset.done $0x0  }
0x47: {  	s1 =	simm.s32 $0x2800;
	[sflag:s20] =	ssyncadd.s32 $0xFFFFE000  }
0x48: {  	[spmem:s3] =	stream.indirect.scatter.add.f32 [tilespmem:s18], [sflag:$0x3], $0x40, s1, s23, $0xb8;
	[tilespmem:$0x1D000] =	vst v63  }
0x49: {  	_ =	swait.ge [sflag:s25], $0x2000  }
0x4a: {  	[sflag:s25] =	ssyncset.done $0x0  }
0x4b: {  	s1 =	simm.s32 $0x2880;
	[sflag:s25] =	ssyncadd.s32 $0xFFFFE000  }
0x4c: {  	[spmem:s3] =	stream.indirect.scatter.add.f32 [tilespmem:s24], [sflag:$0x4], $0x40, s1, s23, $0xb8;
	[tilespmem:$0x1D000] =	vst v63  }
0x4d: {  	_ =	swait.ge [sflag:s19], $0x2000  }
0x4e: {  	[sflag:s19] =	ssyncset.done $0x0  }
0x4f: {  	s1 =	simm.s32 $0x100;
	[sflag:s19] =	ssyncadd.s32 $0xFFFFE000  }
0x50: {  	[tilespmem:s18], [sflag:$0x1] =	stream.indirect.gather [spmem:s2], $0x40, s1, s23, $0xb8;
	[tilespmem:$0x1D000] =	vst v63  }
0x51: {  	_ =	swait.ge [sflag:s26], $0x2000  }
0x52: {  	[sflag:s26] =	ssyncset.done $0x0  }
0x53: {  	s31 =	simm.s32 $0x400;
	s1 =	simm.s32 $0x180;
	[sflag:s26] =	ssyncadd.s32 $0xFFFFE000  }
.LBB2_4:
0x54: {  	[tilespmem:s24], [sflag:$0x2] =	stream.indirect.gather [spmem:s2], $0x40, s1, s23, $0xb8;
	[tilespmem:$0x1D000] =	vst v63  }
0x55: {  	s0 =	smov.u32 s31  }
0x56: {  	p0 =	sne.s32 s31, $0x9800;
	s31 =	sadd.s32 $0x400, s31;
	_ =	swait.ge [sflag:s20], $0x2000  }
0x57: {  	s0 =	sshra.s32 s0, $0x2;
	[sflag:s20] =	ssyncset.done $0x0  }
0x58: {  	s1 =	sadd.s32 $0x2800, s0;
	[sflag:s20] =	ssyncadd.s32 $0xFFFFE000  }
0x59: {  	[spmem:s3] =	stream.indirect.scatter.add.f32 [tilespmem:s18], [sflag:$0x3], $0x40, s1, s23, $0xb8;
	[tilespmem:$0x1D000] =	vst v63  }
0x5a: {  	_ =	swait.ge [sflag:s25], $0x2000  }
0x5b: {  	[sflag:s25] =	ssyncset.done $0x0  }
0x5c: {  	s1 =	sadd.s32 $0x2880, s0;
	[sflag:s25] =	ssyncadd.s32 $0xFFFFE000  }
0x5d: {  	[spmem:s3] =	stream.indirect.scatter.add.f32 [tilespmem:s24], [sflag:$0x4], $0x40, s1, s23, $0xb8;
	[tilespmem:$0x1D000] =	vst v63  }
0x5e: {  	_ =	swait.ge [sflag:s19], $0x2000  }
0x5f: {  	[sflag:s19] =	ssyncset.done $0x0  }
.Ltmp1:
0x60: {  	s1 =	sadd.s32 $0x100, s0;
	[sflag:s19] =	ssyncadd.s32 $0xFFFFE000;
	(pc) =	sbr.rel @p0 .LBB2_4-.Ltmp1, $4  }
0x61: {  	[tilespmem:s18], [sflag:$0x1] =	stream.indirect.gather [spmem:s2], $0x40, s1, s23, $0xb8;
	[tilespmem:$0x1D000] =	vst v63  }
0x62: {  	_ =	swait.ge [sflag:s26], $0x2000  }
0x63: {  	[sflag:s26] =	ssyncset.done $0x0  }
0x64: {  	s1 =	sadd.s32 $0x180, s0;
	[sflag:s26] =	ssyncadd.s32 $0xFFFFE000  }
0x65: {  	[tilespmem:s24], [sflag:$0x2] =	stream.indirect.gather [spmem:s2], $0x40, s1, s23, $0xb8;
	[tilespmem:$0x1D000] =	vst v63  }
0x66: {  	_ =	swait.ge [sflag:s20], $0x2000  }
0x67: {  	[sflag:s20] =	ssyncset.done $0x0  }
0x68: {  	[sflag:s20] =	ssyncadd.s32 $0xFFFFE000  }
0x69: {  	[spmem:s3] =	stream.indirect.scatter.add.f32 [tilespmem:s18], [sflag:$0x3], $0x40, s28, s23, $0xb8;
	[tilespmem:$0x1D000] =	vst v63  }
0x6a: {  	_ =	swait.ge [sflag:s25], $0x2000  }
0x6b: {  	[sflag:s25] =	ssyncset.done $0x0  }
0x6c: {  	[sflag:s25] =	ssyncadd.s32 $0xFFFFE000  }
0x6d: {  	[spmem:s3] =	stream.indirect.scatter.add.f32 [tilespmem:s24], [sflag:$0x4], $0x40, s29, s23, $0xb8;
	[tilespmem:$0x1D000] =	vst v63  }
0x6e: {  	_ =	swait.ge [sflag:s19], $0x2000  }
0x6f: {  	[sflag:s19] =	ssyncset.done $0x0  }
0x70: {  	[sflag:s19] =	ssyncadd.s32 $0xFFFFE000  }
0x71: {  	[tilespmem:s18], [sflag:$0x1] =	stream.indirect.gather [spmem:s2], $0x40, s4, s23, $0xb8;
	[tilespmem:$0x1D000] =	vst v63  }
0x72: {  	_ =	swait.ge [sflag:s26], $0x2000  }
0x73: {  	[sflag:s26] =	ssyncset.done $0x0  }
0x74: {  	[sflag:s26] =	ssyncadd.s32 $0xFFFFE000  }
0x75: {  	[tilespmem:s24], [sflag:$0x2] =	stream.indirect.gather [spmem:s2], $0x40, s23, s23, $0xb8;
	[tilespmem:$0x1D000] =	vst v63  }
0x76: {  	_ =	swait.ge [sflag:s20], $0x2000  }
0x77: {  	[sflag:s20] =	ssyncset.done $0x0  }
0x78: {  	[sflag:s20] =	ssyncadd.s32 $0xFFFFE000  }
0x79: {  	_ =	swait.ge [sflag:s25], $0x2000  }
0x7a: {  	s30 =	sadd.s32 $0x1, s30;
	[sflag:s25] =	ssyncset.done $0x0  }
0x7b: {  	s0 =	sor.u32 $0x1C05, s6;
	p0 =	sne.s32 s30, s16;
	[sflag:s25] =	ssyncadd.s32 $0xFFFFE000  }
.Ltmp2:
0x7c: {  	s31 =	sshrl.u32 s8, $0x3;
	[bflag:$0x0] =	sbarrier.arrive $0xFFFF;
	(pc) =	sbr.rel @p0 .LBB2_1-.Ltmp2, $4  }
0x7d: {  	[hbm:s15], [sflag:s0] =	dma.local [spmem:s31], $0x1400  }
0x7e: {  	_ =	swait.ge [sflag:s21], $0x1400  }
0x7f: {  	[sflag:s21] =	ssyncset.done $0x0  }
0x80: {  	[sflag:s21] =	ssyncadd.s32 $0xFFFFEC00  }
0x81: {  	_ =	sfence.sel $0x180000  }
0x82: {  	[bflag:$0x0] =	sbarrier.arrive $0xFFFF  }
0x83: {  	_ =	strace $0x9000004D  }
0x84: {  	s0 =	stileid.u32;
	[bflag:$0x2] =	sbarrier.arrive $0xFFFF  }
0x85: {  	p0 =	sne.s32 s0, $0x0;
	s0 =	rddreg [dreg:$0x3]  }
0x86: {  	s0 =	sadd.s32 @!p0 $0x100000, s0  }
0x87: {  	[sflag:s0] =	ssyncadd.tile.s32 @!p0 $0x1;
	_ =	shalt  }
.Lfunc_end2:
_tile_overlayer_lowered:
.L_overlay_start_2:
0x88: {  	(tag) =	ssettag $0x2  }
0x89: {  	s0 =	rddreg [dreg:$0x0];
	s2 =	stileid.u32  }
0x8a: {  	s1 =	rddreg [dreg:$0x1];
	p0 =	sne.s32 s2, $0x0  }
0x8b: {  	s3 =	rddreg [dreg:$0x2];
	[bflag:$0x3] =	sbarrier.arrive $0xFFFF;
	s2 =	simm.s32 @!p0 $0x1C05  }
0x8c: {  	[timem:s3], [sflag:s2] =	dma.local @!p0 [hbm:s0], s1  }
0x8d: {  	s0 =	simm.s32 @!p0 $0x5  }
0x8e: {  	_ =	swait.ge @!p0 [sflag:s0], s1  }
0x8f: {  	s1 =	ssub.s32 @!p0 $0x0, s1;
	[sflag:s0] =	ssyncset.done @!p0 $0x0  }
0x90: {  	[sflag:s0] =	ssyncadd.s32 @!p0 s1  }
0x91: {  	[bflag:$0x3] =	sbarrier.arrive $0xFFFF  }
0x92: {  	_ =	shalt  }

// kernel: kernel.8.cloned.1.call-start
scs
__scs_entry_jumppad:
0x0: {  	(pc) =	sbr.rel $0x88, $3  }
0x1: {  	(tag) =	ssettag $0x0;
	lr =	simm.s32 $0x1  }
0x2: {  	[smem:$0x3F98] =	sst lr;
	_ =	strace $0xD0000000  }
0x3: {  	_ = 	snop  }
0x4: {  	_ = 	snop  }
0x5: {  	_ = 	snop  }
0x6: {  	_ = 	snop  }
0x7: {  	_ = 	snop  }
__scs_overlays_trampoline_lowered:
0x8: {  	[smem:$0x3FA7] =	sst s0  }
0x9: {  	[smem:$0x3FA8] =	sst s1  }
0xa: {  	[smem:$0x3FA9] =	sst s2  }
0xb: {  	[smem:$0x3FAA] =	sst s3  }
0xc: {  	[smem:$0x3FAB] =	sst s4  }
0xd: {  	[smem:$0x3FAC] =	sst s5  }
0xe: {  	[smem:$0x3FAD] =	sst s6  }
0xf: {  	[smem:$0x3FAE] =	sst s7  }
0x10: {  	[smem:$0x3FAF] =	sst s8  }
0x11: {  	[smem:$0x3FB0] =	sst s9;
	s0 =	simm.s32 @!p0 $0x0  }
0x12: {  	s1 =	sld [smem:$0x3F96];
	s0 =	simm.s32 @p0 $0x1  }
0x13: {  	[smem:$0x3FB1] =	sst s0;
	s0 =	simm.s32 @!p1 $0x0  }
0x14: {  	s2 =	sld [smem:$0x3F95];
	s0 =	simm.s32 @p1 $0x1  }
0x15: {  	[smem:$0x3FB2] =	sst s0;
	s0 =	simm.s32 @!p2 $0x0  }
0x16: {  	s3 =	sld [smem:$0x3FDB];
	s0 =	simm.s32 @p2 $0x1  }
0x17: {  	s4 =	simm.s32 $0x1BF5;
	[smem:$0x3FB4] =	sst s0  }
0x18: {  	s0 =	sld [smem:$0x3F97];
	_ =	swait.ge [sflag:s4], $0x0  }
0x19: {  	s7 =	sld [smem:$0x3F98]  }
0x1a: {  	s8 =	sadd.s32 $0xFFFFE003, lr  }
0x1b: {  	s9 =	sadd.s32 $0xFFFFFEF7, lr;
	s5 =	simm.s32 $0xFFFFFFFF;
	p2 =	slt.u32 s8, $0xFFFFF086  }
0x1c: {  	p1 =	slt.u32 s9, $0xF7A;
	s5 =	simm.s32 @!p2 $0x0  }
0x1d: {  	s5 =	simm.s32 @p1 $0x1;
	p0 =	seq.s32 s7, s2  }
0x1e: {  	s7 =	smul.u32 @!p0 $0xF7A, s2;
	p2 =	seq.s32 @!p0 s5, $0x0  }
0x1f: {  	s9 =	smul.u32 $0xF7A, s1;
	s8 =	simm.s32 @!p0 $0x1BF5;
	p2 =	por !p2, p0  }
0x20: {  	[sflag:s8] =	ssyncset.s32 @!p0 $0xFFFFF086;
	s6 =	sadd.s32 @!p0 s3, s7;
	s7 =	simm.s32 @!p0 $0x108  }
0x21: {  	s3 =	sadd.s32 s3, s9;
	s6 =	sadd.s32 @!p0 $0x88, s6;
	s7 =	simm.s32 @p2 $0x1082  }
0x22: {  	[simem:s7], [sflag:s8] =	dma.local @!p0 [hbm:s6], $0xF7A  }
0x23: {  	s9 =	sor.u32 $0xD0000000, s2;
	s6 =	simm.s32 $0x108;
	_ =	swait.ge @!p0 [sflag:s8], $0x0  }
0x24: {  	s3 =	sadd.s32 $0x88, s3;
	s6 =	simm.s32 @!p1 $0x1082;
	[sflag:s4] =	ssyncset.s32 $0xFFFFF086  }
0x25: {  	[simem:s6], [sflag:s4] =	dma.local [hbm:s3], $0xF7A  }
0x26: {  	[smem:$0x3F98] =	sst s1;
	(tag) =	ssettag s2;
	_ =	strace s9  }
0x27: {  	s1 =	sld [smem:$0x3FA8]  }
0x28: {  	s2 =	sld [smem:$0x3FA9]  }
0x29: {  	s4 =	sld [smem:$0x3FAB]  }
0x2a: {  	p0 =	seq.s32 s5, $0x0;
	s5 =	sld [smem:$0x3FAC]  }
0x2b: {  	s6 =	sld [smem:$0x3FAD]  }
0x2c: {  	s7 =	sld [smem:$0x3FAE]  }
0x2d: {  	s3 =	simm.s32 $0x108;
	s8 =	sld [smem:$0x3FAF]  }
0x2e: {  	s3 =	simm.s32 @!p0 $0x1082;
	s9 =	sld [smem:$0x3FB0]  }
0x2f: {  	lr =	sadd.s32 s0, s3;
	s0 =	sld [smem:$0x3FA7]  }
0x30: {  	s3 =	sld [smem:$0x3FAA]  }
0x31: {  	[smem:$0x3FB3] =	sst s10  }
0x32: {  	s10 =	sld [smem:$0x3FB1];
	_ =	sdelay $0x3  }
0x33: {  	p0 =	seq.s32 s10, $0x1;
	s10 =	sld [smem:$0x3FB3];
	_ =	sdelay $0x3  }
0x34: {  	[smem:$0x3FB3] =	sst s10  }
0x35: {  	s10 =	sld [smem:$0x3FB2];
	_ =	sdelay $0x3  }
0x36: {  	p1 =	seq.s32 s10, $0x1;
	s10 =	sld [smem:$0x3FB3];
	_ =	sdelay $0x3  }
0x37: {  	[smem:$0x3FB3] =	sst s10  }
0x38: {  	s10 =	sld [smem:$0x3FB4]  }
0x39: {  	_ = 	snop;
	(pc) =	sbr.ind lr, $3  }
0x3a: {  	_ = 	snop  }
0x3b: {  	_ = 	snop  }
0x3c: {  	p2 =	seq.s32 s10, $0x1;
	s10 =	sld [smem:$0x3FB3]  }
0x3d: {  	_ =	shalt  }
0x3e: {  	_ =	shalt  }
0x3f: {  	_ =	shalt  }
0x40: {  	_ =	shalt  }
0x41: {  	_ =	shalt  }
0x42: {  	_ =	shalt  }
0x43: {  	_ =	shalt  }
0x44: {  	_ =	shalt  }
0x45: {  	_ =	shalt  }
0x46: {  	_ =	shalt  }
0x47: {  	_ =	shalt  }
0x48: {  	_ =	shalt  }
0x49: {  	_ =	shalt  }
0x4a: {  	_ =	shalt  }
0x4b: {  	_ =	shalt  }
0x4c: {  	_ =	shalt  }
0x4d: {  	_ =	shalt  }
0x4e: {  	_ =	shalt  }
0x4f: {  	_ =	shalt  }
0x50: {  	_ =	shalt  }
0x51: {  	_ =	shalt  }
0x52: {  	_ =	shalt  }
0x53: {  	_ =	shalt  }
0x54: {  	_ =	shalt  }
0x55: {  	_ =	shalt  }
0x56: {  	_ =	shalt  }
0x57: {  	_ =	shalt  }
0x58: {  	_ =	shalt  }
0x59: {  	_ =	shalt  }
0x5a: {  	_ =	shalt  }
0x5b: {  	_ =	shalt  }
0x5c: {  	_ =	shalt  }
0x5d: {  	_ =	shalt  }
0x5e: {  	_ =	shalt  }
0x5f: {  	_ =	shalt  }
0x60: {  	_ =	shalt  }
0x61: {  	_ =	shalt  }
0x62: {  	_ =	shalt  }
0x63: {  	_ =	shalt  }
0x64: {  	_ =	shalt  }
0x65: {  	_ =	shalt  }
0x66: {  	_ =	shalt  }
0x67: {  	_ =	shalt  }
0x68: {  	_ =	shalt  }
0x69: {  	_ =	shalt  }
0x6a: {  	_ =	shalt  }
0x6b: {  	_ =	shalt  }
0x6c: {  	_ =	shalt  }
0x6d: {  	_ =	shalt  }
0x6e: {  	_ =	shalt  }
0x6f: {  	_ =	shalt  }
0x70: {  	_ =	shalt  }
0x71: {  	_ =	shalt  }
0x72: {  	_ =	shalt  }
0x73: {  	_ =	shalt  }
0x74: {  	_ =	shalt  }
0x75: {  	_ =	shalt  }
0x76: {  	_ =	shalt  }
0x77: {  	_ =	shalt  }
0x78: {  	_ =	shalt  }
0x79: {  	_ =	shalt  }
0x7a: {  	_ =	shalt  }
0x7b: {  	_ =	shalt  }
0x7c: {  	_ =	shalt  }
0x7d: {  	_ =	shalt  }
0x7e: {  	_ =	shalt  }
0x7f: {  	_ =	shalt  }
0x80: {  	_ =	shalt  }
0x81: {  	_ =	shalt  }
0x82: {  	_ =	shalt  }
0x83: {  	_ =	shalt  }
0x84: {  	_ =	shalt  }
0x85: {  	_ =	shalt  }
0x86: {  	_ =	shalt  }
0x87: {  	_ =	shalt  }
.Lfunc_end0:
.L_simem_size_0:
called_computation_lowered:
.L_overlay_start_0:
0x88: {  	s2 =	sld [smem:$0x3FD9]  }
0x89: {  	s3 =	sld [smem:$0x3FFE];
	_ =	sdelay $0x1  }
0x8a: {  	s1 =	srdreg.scid  }
0x8b: {  	s0 =	sand.u32 $0x1, s1  }
0x8c: {  	s16 =	sshll.u32 s0, $0xA;
	s2 =	sadd.s32 s3, s2  }
0x8d: {  	s2 =	sadd.s32 s2, s16  }
0x8e: {  	[smem:$0x3FBF] =	sst s2  }
0x8f: {  	_ = 	snop  }
0x90: {  	(tm) =	ssettm $0x1  }
0x91: {  	s17 =	sld [smem:$0x3FFB];
	_ =	sdelay $0x3  }
0x92: {  	_ =	strace s17  }
0x93: {  	s2 =	sld [smem:$0x3FFC];
	_ =	sdelay $0x3  }
0x94: {  	_ =	strace s2  }
0x95: {  	s2 =	sld [smem:$0x3FFD];
	_ =	sdelay $0x3  }
0x96: {  	_ =	strace s2  }
0x97: {  	_ =	strace $0x8FFFFFFF  }
0x98: {  	s18 =	sld [smem:$0x3FDB];
	_ =	sdelay $0x1  }
0x99: {  	s19 =	simm.s32 $_scs_section_size  }
0x9a: {  	s4 =	simm.s32 $_size__tile_overlayer_lowered;
	s5 =	simm.s32 $_tile_overlayer_lowered  }
0x9b: {  	s22 =	simm.s32 $0x1BFF;
	s21 =	sshll.u32 s5, $0x1;
	s2 =	sadd.s32 s19, s18  }
0x9c: {  	s6 =	simm.s32 $0x0;
	s20 =	sshll.u32 s4, $0x1;
	s4 =	sadd.s32 s21, s2  }
0x9d: {  	[timem:s6], [sflag:s22] =	dma.local [hbm:s4], s20  }
0x9e: {  	_ =	swait.ge [sflag:s22], s20  }
0x9f: {  	s3 =	ssub.s32 $0x0, s20;
	[sflag:s22] =	ssyncset.done $0x0  }
0xa0: {  	[sflag:s22] =	ssyncadd.s32 s3;
	_ =	sdelay $0x1  }
0xa1: {  	s23 =	simm.s32 $0x1B8B  }
0xa2: {  	_ =	swait.ge [sflag:s23], $0x1  }
0xa3: {  	[sflag:s23] =	ssyncset.done $0x0  }
0xa4: {  	s25 =	simm.s32 $0x1B8E;
	s24 =	sld [smem:$0x3FFE];
	[sflag:s23] =	ssyncadd.s32 $0xFFFFFFFF  }
0xa5: {  	s26 =	simm.s32 $execute0_lowered;
	[smem:$0x3FD2] =	sst s25  }
0xa6: {  	s4 =	sshll.u32 s26, $0x1;
	_ =	strace $0x80000046;
	[dreg:$0x1] =	wrdreg $0xFFFFFFFF  }
0xa7: {  	s28 =	simm.s32 $_size_execute0_lowered;
	s2 =	sadd.s32 s2, s4;
	[dreg:$0x0] =	wrdreg $0x0  }
0xa8: {  	s4 =	sshll.u32 s28, $0x1;
	[dreg:$0x2] =	wrdreg s2  }
0xa9: {  	[dreg:$0x3] =	wrdreg s4  }
0xaa: {  	[dreg:$0x4] =	wrdreg $0xC0  }
0xab: {  	_ =	task [dreg:s6], $0x5FFFF  }
0xac: {  	[dreg:$0x1] =	wrdreg $0xFFFFFFFF  }
0xad: {  	[dreg:$0x0] =	wrdreg $0x60  }
0xae: {  	[dreg:$0x2] =	wrdreg s24  }
0xaf: {  	[dreg:$0x3] =	wrdreg $0x30000  }
0xb0: {  	[dreg:$0x4] =	wrdreg $0x9  }
0xb1: {  	_ =	task.clear_ibuf [dreg:s6], $0x5FFFF;
	_ =	strace $0x90000046  }
0xb2: {  	s29 =	simm.s32 $0x9;
	_ =	strace $0x80000048  }
0xb3: {  	_ =	swait.ge [sflag:s29], $0x1  }
0xb4: {  	[sflag:s29] =	ssyncadd.s32 $0xFFFFFFFF  }
0xb5: {  	_ =	strace $0x90000048  }
0xb6: {  	_ =	sfence  }
0xb7: {  	s30 =	sld [smem:$0x0];
	_ =	sdelay $0x2  }
0xb8: {  	s31 =	sshll.u32 s1, $0xD;
	s1 =	sshrl.u32 s1, $0x2  }
0xb9: {  	s3 =	sand.u32 $0x4000, s31;
	s1 =	sadd.s32 s1, s30  }
0xba: {  	s0 =	sor.u32 s3, s0;
	s1 =	sshll.u32 s1, $0x11  }
0xbb: {  	s0 =	sor.u32 s1, s0  }
0xbc: {  	s0 =	sadd.s32 $0x8F2B, s0  }
0xbd: {  	[sflag:s0] =	ssyncadd.remote.s32 $0x1  }
0xbe: {  	_ =	sfence.sel $0xFFFF  }
0xbf: {  	[dreg:$0x0] =	wrdreg $0xFFFFFFFF;
	(pc) =	sbr.abs _section_cstart, $3  }
0xc0: {  	[dreg:$0x1] =	wrdreg $0xFFFFFFFF  }
0xc1: {  	_ =	task.clear_ibuf [dreg:s6], $0x2FFFF;
	_ =	strace $0x9FFFFFFF  }
0xc2: {  	(tm) =	ssettm $0x7FFFFFFF  }
0xc3: {  	_ =	shalt  }
tec
execute0_lowered:
.L_overlay_start_1:
0x0: {  	(tag) =	ssettag $0x1  }
0x1: {  	s4 =	rddreg [dreg:$0x0];
	s1 =	srdreg.scid  }
0x2: {  	s0 =	stileid.u32;
	s2 =	rddreg [dreg:$0x1];
	s3 =	simm.s32 $0x0  }
0x3: {  	s12 =	simm.s32 $0x2800;
	s13 =	simm.s32 $0x1;
	s14 =	simm.s32 $0x2  }
0x4: {  	s5 =	sand.u32 $0x1, s1;
	s6 =	smul.u32 $0x2800, s0;
	s1 =	rddreg [dreg:$0x2]  }
0x5: {  	s15 =	simm.s32 $0x80;
	[smem:$0x7FF] =	sst s3;
	s8 =	smul.u32 $0xA000, s0  }
0x6: {  	s16 =	sshll.u32 s0, $0x6;
	s7 =	smul.u32 $0x28000, s5;
	_ =	strace $0x80000047  }
0x7: {  	s5 =	ssub.s32 $0x2, s5;
	s16 =	sor.u32 $0x1C02, s16;
	s8 =	sshrl.u32 s8, $0x2  }
0x8: {  	s9 =	sshrl.u32 s5, $0x1;
	s7 =	sadd.s32 s6, s7;
	s8 =	sadd.s32 s8, s2  }
0x9: {  	s11 =	ssub.s32 s5, s9;
	s7 =	sshrl.u32 s7, $0x3;
	s5 =	sadd.s32 $0x800, s8  }
0xa: {  	s11 =	smax.u32 s11, $0x1;
	s10 =	sadd.s32 s7, s4;
	s4 =	sadd.s32 s6, s2  }
0xb: {  	s6 =	sadd.s32 $0x1000, s8;
	s7 =	sadd.s32 $0x1800, s8;
	s8 =	sadd.s32 $0x2000, s8  }
0xc: {  	v0 =	vimm.f32 $0.0e+00;
	v1 =	vimm.f32 $1.000000000e+00;
	s9 =	sadd.s32 $0x1C00, s10;
	s10 =	sadd.s32 $0xBC00, s10;
	s17 =	sshrl.u32 s4, $0x3  }
.LBB2_1:
0xd: {  	s18 =	simm.s32 $0x40;
	s19 =	simm.s32 $0x0  }
.LBB2_2:
0xe: {  	p0 =	sne.s32 s18, $0x1FC0;
	[tilespmem:s19+$0x2800] =	vst v0;
	s19 =	smov.u32 s18;
	s18 =	sadd.s32 $0x40, s18  }
.Ltmp0:
0xf: {  	(pc) =	sbr.rel @p0 .LBB2_2-.Ltmp0, $2  }
0x10: {  	_ =	sdelay $0x2  }
0x11: {  	s19 =	sshra.s32 s19, $0x2  }
0x12: {  	[tilespmem:s19+$0x2800] =	vst v0  }
0x13: {  	[spmem:s4] =	stream.linear.scatter [tilespmem:s12], [sflag:$0x1], $0x800, $0x38;
	[tilespmem:$0x5800] =	vst v63  }
0x14: {  	_ = 	snop  }
0x15: {  	[spmem:s5] =	stream.linear.scatter [tilespmem:s12], [sflag:$0x1], $0x800, $0x38;
	[tilespmem:$0x5800] =	vst v63  }
0x16: {  	_ = 	snop  }
0x17: {  	[spmem:s6] =	stream.linear.scatter [tilespmem:s12], [sflag:$0x1], $0x800, $0x38;
	[tilespmem:$0x5800] =	vst v63  }
0x18: {  	_ = 	snop  }
0x19: {  	[spmem:s7] =	stream.linear.scatter [tilespmem:s12], [sflag:$0x1], $0x800, $0x38;
	[tilespmem:$0x5800] =	vst v63  }
0x1a: {  	_ = 	snop  }
0x1b: {  	[spmem:s8] =	stream.linear.scatter [tilespmem:s12], [sflag:$0x1], $0x800, $0x38;
	[tilespmem:$0x5800] =	vst v63  }
0x1c: {  	_ =	swait.ge [sflag:s13], $0x800  }
0x1d: {  	[sflag:s13] =	ssyncset.done $0x0  }
0x1e: {  	[sflag:s13] =	ssyncadd.s32 $0xFFFFF800  }
0x1f: {  	_ =	swait.ge [sflag:s13], $0x800  }
0x20: {  	[sflag:s13] =	ssyncset.done $0x0  }
0x21: {  	[sflag:s13] =	ssyncadd.s32 $0xFFFFF800  }
0x22: {  	_ =	swait.ge [sflag:s13], $0x800  }
0x23: {  	[sflag:s13] =	ssyncset.done $0x0  }
0x24: {  	[sflag:s13] =	ssyncadd.s32 $0xFFFFF800  }
0x25: {  	_ =	swait.ge [sflag:s13], $0x800  }
0x26: {  	[sflag:s13] =	ssyncset.done $0x0  }
0x27: {  	[sflag:s13] =	ssyncadd.s32 $0xFFFFF800  }
0x28: {  	_ =	swait.ge [sflag:s13], $0x800  }
0x29: {  	[sflag:s13] =	ssyncset.done $0x0  }
0x2a: {  	s18 =	simm.s32 $0x40;
	s19 =	simm.s32 $0x0;
	[sflag:s13] =	ssyncadd.s32 $0xFFFFF800  }
.LBB2_4:
0x2b: {  	p0 =	sne.s32 s18, $0x1FC0;
	[tilespmem:s19+$0x2800] =	vst v1;
	s19 =	smov.u32 s18;
	s18 =	sadd.s32 $0x40, s18  }
.Ltmp1:
0x2c: {  	(pc) =	sbr.rel @p0 .LBB2_4-.Ltmp1, $2  }
0x2d: {  	_ =	sdelay $0x2  }
0x2e: {  	s19 =	sshra.s32 s19, $0x2  }
0x2f: {  	[tilespmem:s19+$0x2800] =	vst v1  }
0x30: {  	s18 =	simm.s32 $0x0;
	[bflag:$0x0] =	sbarrier.arrive $0xFFFF  }
0x31: {  	[tilespmem:s18], [sflag:$0x2] =	stream.linear.gather [hbm4b:s9+s18], $0x2800, $0x38;
	[tilespmem:$0x5800] =	vst v63  }
0x32: {  	_ =	swait.ge [sflag:s14], $0x2800  }
0x33: {  	[sflag:s14] =	ssyncset.done $0x0  }
0x34: {  	[sflag:s14] =	ssyncadd.s32 $0xFFFFD800  }
.LBB2_6:
0x35: {  	p0 =	sne.s32 s18, $0x9E00  }
.Ltmp2:
0x36: {  	_ = 	snop;
	(pc) =	sbr.rel @p0 .LBB2_6-.Ltmp2, $3  }
0x37: {  	_ =	sdelay $0x1  }
0x38: {  	s19 =	sshra.s32 s18, $0x2;
	s18 =	sadd.s32 $0x200, s18  }
0x39: {  	[spmem:s2] =	stream.indirect.scatter.add.f32 [tilespmem:s12], [sflag:$0x1], $0x10, s19, s15, $0xb8;
	[tilespmem:$0x5800] =	vst v63  }
0x3a: {  	_ =	swait.ge [sflag:s13], $0x800  }
0x3b: {  	s18 =	simm.s32 $0x4F;
	[sflag:s13] =	ssyncset.done $0x0  }
.LBB2_8:
0x3c: {  	p0 =	sne.s32 s18, $0x1;
	s18 =	sadd.s32 $0xFFFFFFFF, s18;
	[sflag:s13] =	ssyncadd.s32 $0xFFFFF800  }
.Ltmp3:
0x3d: {  	(pc) =	sbr.rel @p0 .LBB2_8-.Ltmp3, $3  }
0x3e: {  	_ =	sdelay $0x1  }
0x3f: {  	_ =	swait.ge [sflag:s13], $0x800  }
0x40: {  	[sflag:s13] =	ssyncset.done $0x0  }
0x41: {  	s3 =	sadd.s32 $0x1, s3  }
0x42: {  	[sflag:s13] =	ssyncadd.s32 $0xFFFFF800;
	p0 =	sne.s32 s3, s11  }
.Ltmp4:
0x43: {  	[bflag:$0x0] =	sbarrier.arrive $0xFFFF;
	(pc) =	sbr.rel @p0 .LBB2_1-.Ltmp4, $4  }
0x44: {  	[hbm:s10], [sflag:s16] =	dma.local [spmem:s17], $0x500  }
0x45: {  	_ =	swait.ge [sflag:s14], $0x500  }
0x46: {  	[sflag:s14] =	ssyncset.done $0x0  }
0x47: {  	[sflag:s14] =	ssyncadd.s32 $0xFFFFFB00  }
0x48: {  	_ =	sfence.sel $0x180000  }
0x49: {  	[bflag:$0x0] =	sbarrier.arrive $0xFFFF  }
0x4a: {  	p0 =	sne.s32 s0, $0x0;
	_ =	strace $0x90000047  }
0x4b: {  	s0 =	sadd.s32 @!p0 $0x100000, s1;
	[bflag:$0x2] =	sbarrier.arrive $0xFFFF  }
0x4c: {  	[sflag:s0] =	ssyncadd.tile.s32 @!p0 $0x1;
	_ =	shalt  }
.Lfunc_end2:
_tile_overlayer_lowered:
.L_overlay_start_2:
0x4d: {  	(tag) =	ssettag $0x2  }
0x4e: {  	s0 =	rddreg [dreg:$0x0];
	s2 =	stileid.u32  }
0x4f: {  	s1 =	rddreg [dreg:$0x1];
	p0 =	sne.s32 s2, $0x0  }
0x50: {  	s3 =	rddreg [dreg:$0x2];
	[bflag:$0x3] =	sbarrier.arrive $0xFFFF;
	s2 =	simm.s32 @!p0 $0x1C02  }
0x51: {  	[timem:s3], [sflag:s2] =	dma.local @!p0 [hbm:s0], s1  }
0x52: {  	s0 =	simm.s32 @!p0 $0x2  }
0x53: {  	_ =	swait.ge @!p0 [sflag:s0], s1  }
0x54: {  	s1 =	ssub.s32 @!p0 $0x0, s1;
	[sflag:s0] =	ssyncset.done @!p0 $0x0  }
0x55: {  	[sflag:s0] =	ssyncadd.s32 @!p0 s1  }
0x56: {  	[bflag:$0x3] =	sbarrier.arrive $0xFFFF  }
0x57: {  	_ =	shalt  }

</sc_bundles>
